<compile_context>
chip_gen: v7x
topology: tpu7x:2x2x1
jax: 0.10.2.dev20260603
libtpu: 0.0.44.dev20260713+nightly
codegen_flags: <defaults>
</compile_context>

<pallas_src>
import jax
import jax.numpy as jnp
from jax import lax
from jax.experimental import pallas as pl
from jax.experimental.pallas import tpu as pltpu
from jax.experimental.pallas import tpu_sc as plsc

_B, _L, _DIM = 1024, 512, 128
_N = _B * _L
_VEC = 16
_NVJ = _DIM // _VEC

_info = plsc.get_sparse_core_info()
_NC = _info.num_cores
_NS = _info.num_subcores
_NW = _NC * _NS
_ROWS_PER_W = _N // _NW
_C = 128
_KB = 16
_BLK = _C * _KB

_MAX_LEN = 512
_COMB_ROWS = 2 * _MAX_LEN
_CB_PER_T = _COMB_ROWS // _NS


def _embed_body(tok_hbm, seg_hbm, pos_hbm, ttab, stab, ptab, out_hbm,
                idxt, idxs, idxp, idxc,
                rt0, rt1, rc0, rc1, srows, prows, comb_sp,
                st0, st1, sc0, sc1, sw0, sw1):
    sid = lax.axis_index("s")
    wid = sid * _NC + lax.axis_index("c")
    base_w = wid * _ROWS_PER_W
    n_chunks = _ROWS_PER_W // _C
    bufs = ((rt0, rc0, st0, sc0, sw0), (rt1, rc1, st1, sc1, sw1))

    def load_idx_block(k):
        blk = pl.multiple_of((base_w + k * _C) // _C, _KB)
        half = pl.multiple_of(lax.rem(k, 2 * _KB), _KB)
        pltpu.sync_copy(tok_hbm.at[pl.ds(blk, _KB)],
                        idxt.at[pl.ds(half, _KB)])
        pltpu.sync_copy(seg_hbm.at[pl.ds(blk, _KB)], idxs)
        pltpu.sync_copy(pos_hbm.at[pl.ds(blk, _KB)], idxp)

        def crow(r, carry):
            for j in range(_C // _VEC):
                sl = pl.ds(j * _VEC, _VEC)
                idxc[half + r, sl] = idxs[r, sl] * _MAX_LEN + idxp[r, sl]
            return carry

        lax.fori_loop(0, _KB, crow, 0)

    load_idx_block(0)

    cb0 = pl.multiple_of(sid * _CB_PER_T, _CB_PER_T)
    s_of_tile = cb0 // _MAX_LEN
    p0 = pl.multiple_of(lax.rem(cb0, _MAX_LEN), _CB_PER_T)
    pltpu.sync_copy(stab, srows)
    pltpu.sync_copy(ptab.at[pl.ds(p0, _CB_PER_T)], prows)

    def brow(r, carry):
        for j in range(_NVJ):
            sl = pl.ds(j * _VEC, _VEC)
            prows[r, sl] = prows[r, sl] + srows[s_of_tile, sl]
        return carry

    lax.fori_loop(0, _CB_PER_T, brow, 0)
    pltpu.sync_copy(prows, comb_sp.at[pl.ds(cb0, _CB_PER_T)])
    plsc.subcore_barrier()
    pltpu.sync_copy(prows, comb_sp.at[pl.ds(cb0, _CB_PER_T)])
    plsc.subcore_barrier()

    def fire(k, rt, rc, semt, semc):
        kb = lax.rem(k, 2 * _KB)
        pltpu.async_copy(ttab.at[idxt.at[kb]], rt, semt)
        pltpu.async_copy(comb_sp.at[idxc.at[kb]], rc, semc)

    def drain_gathers(k, rt, rc, semt, semc):
        pltpu.make_async_copy(ttab.at[idxt.at[0]], rt, semt).wait()
        pltpu.make_async_copy(comb_sp.at[idxc.at[0]], rc, semc).wait()

    def drain_write(rt, semw):
        pltpu.make_async_copy(rt, out_hbm.at[pl.ds(0, _C)], semw).wait()

    fire(0, *bufs[0][:4])

    def pair(kk, carry):
        for b in range(2):
            k = kk * 2 + b
            rt, rc, semt, semc, semw = bufs[b]
            nrt, nrc, nsemt, nsemc, nsemw = bufs[1 - b]

            drain_gathers(k, rt, rc, semt, semc)

            if b == 1:
                @pl.when(k < n_chunks - 1)
                def _():
                    drain_write(nrt, nsemw)
                    fire(k + 1, nrt, nrc, nsemt, nsemc)
            else:
                @pl.when((lax.rem(k, _KB) == _KB // 2) & (k < n_chunks - _KB))
                def _():
                    load_idx_block(k + _KB // 2)

                @pl.when(k >= 1)
                def _():
                    drain_write(nrt, nsemw)

                fire(k + 1, nrt, nrc, nsemt, nsemc)

            def addrow(r, carry2):
                for j in range(_NVJ):
                    sl = pl.ds(j * _VEC, _VEC)
                    plsc.addupdate(rt.at[r, sl], rc[r, sl])
                return carry2

            lax.fori_loop(0, _C, addrow, 0)
            pltpu.async_copy(
                rt,
                out_hbm.at[pl.ds(pl.multiple_of(base_w + k * _C, _C), _C)],
                semw)
        return carry

    lax.fori_loop(0, n_chunks // 2, pair, 0)

    drain_write(rt0, sw0)
    drain_write(rt1, sw1)


def kernel(tokens, segment_ids, pos_ids, token_table, segment_table, pos_table):
    tok = jnp.reshape(tokens, (_N // _C, _C)).astype(jnp.int32)
    seg = jnp.reshape(segment_ids, (_N // _C, _C)).astype(jnp.int32)
    pos = jnp.reshape(pos_ids, (_N // _C, _C)).astype(jnp.int32)
    mesh = plsc.VectorSubcoreMesh(core_axis_name="c", subcore_axis_name="s")

    out = pl.kernel(
        _embed_body,
        mesh=mesh,
        out_type=jax.ShapeDtypeStruct((_N, _DIM), jnp.float32),
        scratch_types=[
            pltpu.VMEM((2 * _KB, _C), jnp.int32),
            pltpu.VMEM((_KB, _C), jnp.int32),
            pltpu.VMEM((_KB, _C), jnp.int32),
            pltpu.VMEM((2 * _KB, _C), jnp.int32),
            pltpu.VMEM((_C, _DIM), jnp.float32),
            pltpu.VMEM((_C, _DIM), jnp.float32),
            pltpu.VMEM((_C, _DIM), jnp.float32),
            pltpu.VMEM((_C, _DIM), jnp.float32),
            pltpu.VMEM((2, _DIM), jnp.float32),
            pltpu.VMEM((_CB_PER_T, _DIM), jnp.float32),
            pltpu.VMEM_SHARED((_COMB_ROWS, _DIM), jnp.float32),
            pltpu.SemaphoreType.DMA,
            pltpu.SemaphoreType.DMA,
            pltpu.SemaphoreType.DMA,
            pltpu.SemaphoreType.DMA,
            pltpu.SemaphoreType.DMA,
            pltpu.SemaphoreType.DMA,
        ],
    )(tok, seg, pos, token_table, segment_table, pos_table)
    return jnp.reshape(out, (_B, _L, _DIM))

# --- scband reference (transcript-rebuilt; emitter-appended) ---
"""Pipeline reference for scband-bert-embedding-16449724745204 (READ-ONLY COPY).

The authoritative reference and input builder live on the scoring server;
editing this copy changes nothing except your own understanding.
"""

import jax, jax.numpy as jnp
import numpy as np

B = 1024
L = 512
VOCAB = 100000
DIM = 128
MAX_LEN = 512

def setup_inputs(seed: int = 0) -> dict:
    key = jax.random.key(seed)
    k1, k2, k3, k4, k5, k6 = jax.random.split(key, 6)
    tokens = jax.random.randint(k1, (B, L), 0, VOCAB, dtype=jnp.int64 if jax.config.jax_enable_x64 else jnp.int32)
    segment_ids = jax.random.randint(k2, (B, L), 0, 2, dtype=jnp.int32)
    pos_ids = jax.random.randint(k3, (B, L), 0, MAX_LEN, dtype=jnp.int32)
    token_table = jax.random.normal(k4, (VOCAB, DIM), dtype=jnp.float32) * 0.02
    segment_table = jax.random.normal(k5, (2, DIM), dtype=jnp.float32) * 0.02
    pos_table = jax.random.normal(k6, (MAX_LEN, DIM), dtype=jnp.float32) * 0.02
    return {"tokens": tokens, "segment_ids": segment_ids, "pos_ids": pos_ids,
            "token_table": token_table, "segment_table": segment_table, "pos_table": pos_table}

def reference(tokens, segment_ids, pos_ids, token_table, segment_table, pos_table):
    # BertEmbedding forward (dropout=0.0 -> identity; no layer norm)
    segment_embedding = jnp.take(segment_table, segment_ids, axis=0)
    pos_embedding = jnp.take(pos_table, pos_ids, axis=0)
    token_embedding = jnp.take(token_table, tokens, axis=0)
    summation = segment_embedding + pos_embedding + token_embedding
    return summation

if __name__ == "__main__":
    import jax
    _d = setup_inputs()
    print(jax.jit(kernel)(*tuple(_d.values())))

</pallas_src>

<mosaic_0001>
#map = affine_map<(d0, d1) -> (0, 0)>
module attributes {stable_mosaic.version = 14 : i64} {
  func.func @_embed_body(%arg0: i32, %arg1: i32, %arg2: memref<4096x128xi32, #tpu.memory_space<hbm>>, %arg3: memref<4096x128xi32, #tpu.memory_space<hbm>>, %arg4: memref<4096x128xi32, #tpu.memory_space<hbm>>, %arg5: memref<100000x128xf32, #tpu.memory_space<hbm>>, %arg6: memref<2x128xf32, #tpu.memory_space<hbm>>, %arg7: memref<512x128xf32, #tpu.memory_space<hbm>>, %arg8: memref<524288x128xf32, #tpu.memory_space<hbm>>, %arg9: memref<32x128xi32, #tpu.memory_space<vmem>>, %arg10: memref<16x128xi32, #tpu.memory_space<vmem>>, %arg11: memref<16x128xi32, #tpu.memory_space<vmem>>, %arg12: memref<32x128xi32, #tpu.memory_space<vmem>>, %arg13: memref<128x128xf32, #tpu.memory_space<vmem>>, %arg14: memref<128x128xf32, #tpu.memory_space<vmem>>, %arg15: memref<128x128xf32, #tpu.memory_space<vmem>>, %arg16: memref<128x128xf32, #tpu.memory_space<vmem>>, %arg17: memref<2x128xf32, #tpu.memory_space<vmem>>, %arg18: memref<64x128xf32, #tpu.memory_space<vmem>>, %arg19: memref<1024x128xf32, #tpu.memory_space<vmem_shared>>, %arg20: memref<!tpu.dma_semaphore, #tpu.memory_space<semaphore_mem>>, %arg21: memref<!tpu.dma_semaphore, #tpu.memory_space<semaphore_mem>>, %arg22: memref<!tpu.dma_semaphore, #tpu.memory_space<semaphore_mem>>, %arg23: memref<!tpu.dma_semaphore, #tpu.memory_space<semaphore_mem>>, %arg24: memref<!tpu.dma_semaphore, #tpu.memory_space<semaphore_mem>>, %arg25: memref<!tpu.dma_semaphore, #tpu.memory_space<semaphore_mem>>) attributes {dimension_semantics = [#tpu.dimension_semantics<core_parallel>, #tpu.dimension_semantics<subcore_parallel>], iteration_bounds = array<i64: 2, 16>, scalar_prefetch = 0 : i64, scratch_operands = 17 : i64, tpu.core_type = #tpu.core_type<sc_vector_subcore>, window_params = [{transform_indices = #map}, {transform_indices = #map}, {transform_indices = #map}, {transform_indices = #map}, {transform_indices = #map}, {transform_indices = #map}, {transform_indices = #map}]} {
    %mul3A = arith.constant 2 : i32
    %mul3A_0 = arith.muli %arg1, %mul3A : i32
    %add3A = arith.addi %mul3A_0, %arg0 : i32
    %mul3A_1 = arith.constant 16384 : i32
    %mul3A_2 = arith.muli %add3A, %mul3A_1 : i32
    %add3A_3 = arith.constant 0 : i32
    %add3A_4 = arith.addi %mul3A_2, %add3A_3 : i32
    %jit3A = arith.constant 128 : i32
    %div3A = arith.divsi %add3A_4, %jit3A : i32
    %sign3A = arith.constant 0 : i32
    %sign3A_5 = arith.cmpi sgt, %add3A_4, %sign3A : i32
    %sign3A_6 = arith.extui %sign3A_5 : i1 to i32
    %sign3A_7 = arith.constant 0 : i32
    %sign3A_8 = arith.cmpi slt, %add3A_4, %sign3A_7 : i32
    %sign3A_9 = arith.extui %sign3A_8 : i1 to i32
    %sign3A_10 = arith.subi %sign3A_6, %sign3A_9 : i32
    %sign3A_11 = arith.constant 0 : i32
    %sign3A_12 = arith.cmpi sgt, %jit3A, %sign3A_11 : i32
    %sign3A_13 = arith.extui %sign3A_12 : i1 to i32
    %sign3A_14 = arith.constant 0 : i32
    %sign3A_15 = arith.cmpi slt, %jit3A, %sign3A_14 : i32
    %sign3A_16 = arith.extui %sign3A_15 : i1 to i32
    %sign3A_17 = arith.subi %sign3A_13, %sign3A_16 : i32
    %ne3A = arith.cmpi ne, %sign3A_10, %sign3A_17 : i32
    %rem3A = arith.remsi %add3A_4, %jit3A : i32
    %ne3A_18 = arith.constant 0 : i32
    %ne3A_19 = arith.cmpi ne, %rem3A, %ne3A_18 : i32
    %and3A = arith.andi %ne3A, %ne3A_19 : i1
    %sub3A = arith.constant 1 : i32
    %sub3A_20 = arith.subi %div3A, %sub3A : i32
    %select_n3A = arith.select %and3A, %sub3A_20, %div3A : i32
    %multiple_of3A = tpu.assume_multiple %select_n3A, 16 : i32
    %rem3A_21 = arith.constant 0 : i32
    %rem3A_22 = arith.constant 32 : i32
    %rem3A_23 = arith.remsi %rem3A_21, %rem3A_22 : i32
    %multiple_of3A_24 = tpu.assume_multiple %rem3A_23, 16 : i32
    "tpu.region"() ({
      %run_scoped3A = tpu.sem_alloc : memref<!tpu.dma_semaphore, #tpu.memory_space<semaphore_mem>>
      %dma_start3A_98 = arith.constant 0 : i32
      %dma_start3A_99 = tpu.memref_slice %arg9[%multiple_of3A_24, %dma_start3A_98] : memref<32x128xi32, #tpu.memory_space<vmem>> -> memref<16x128xi32, #tpu.memory_space<vmem>>
      %dma_start3A_100 = arith.constant 0 : i32
      %dma_start3A_101 = tpu.memref_slice %arg2[%multiple_of3A, %dma_start3A_100] : memref<4096x128xi32, #tpu.memory_space<hbm>> -> memref<16x128xi32, #tpu.memory_space<hbm>>
      %dma_start3A_102 = arith.constant 0 : i32
      %dma_start3A_103 = tpu.memref_slice %arg9[%multiple_of3A_24, %dma_start3A_102] : memref<32x128xi32, #tpu.memory_space<vmem>> -> memref<16x128xi32, #tpu.memory_space<vmem>>
      %dma_start3A_104 = arith.constant 0 : i32
      %dma_start3A_105 = tpu.memref_slice %arg2[%multiple_of3A, %dma_start3A_104] : memref<4096x128xi32, #tpu.memory_space<hbm>> -> memref<16x128xi32, #tpu.memory_space<hbm>>
      tpu.enqueue_dma source(%dma_start3A_105 : memref<16x128xi32, #tpu.memory_space<hbm>>) target(%dma_start3A_103 : memref<16x128xi32, #tpu.memory_space<vmem>>) target_semaphore(%run_scoped3A : memref<!tpu.dma_semaphore, #tpu.memory_space<semaphore_mem>>)
      %dma_wait3A_106 = arith.constant 0 : i32
      %dma_wait3A_107 = tpu.memref_slice %arg9[%multiple_of3A_24, %dma_wait3A_106] : memref<32x128xi32, #tpu.memory_space<vmem>> -> memref<16x128xi32, #tpu.memory_space<vmem>>
      %dma_wait3A_108 = arith.constant 0 : i32
      %dma_wait3A_109 = tpu.memref_slice %arg2[%multiple_of3A, %dma_wait3A_108] : memref<4096x128xi32, #tpu.memory_space<hbm>> -> memref<16x128xi32, #tpu.memory_space<hbm>>
      %dma_wait3A_110 = arith.constant 0 : i32
      %dma_wait3A_111 = tpu.memref_slice %arg9[%multiple_of3A_24, %dma_wait3A_110] : memref<32x128xi32, #tpu.memory_space<vmem>> -> memref<16x128xi32, #tpu.memory_space<vmem>>
      %dma_wait3A_112 = arith.constant 0 : i32
      %dma_wait3A_113 = tpu.memref_slice %arg2[%multiple_of3A, %dma_wait3A_112] : memref<4096x128xi32, #tpu.memory_space<hbm>> -> memref<16x128xi32, #tpu.memory_space<hbm>>
      tpu.wait_dma2 semaphore(%run_scoped3A : memref<!tpu.dma_semaphore, #tpu.memory_space<semaphore_mem>>) src(%dma_wait3A_113 : memref<16x128xi32, #tpu.memory_space<hbm>>) dst(%dma_wait3A_111 : memref<16x128xi32, #tpu.memory_space<vmem>>)
      tpu.yield
    }) : () -> ()
    "tpu.region"() ({
      %run_scoped3A = tpu.sem_alloc : memref<!tpu.dma_semaphore, #tpu.memory_space<semaphore_mem>>
      %dma_start3A_98 = arith.constant 0 : i32
      %dma_start3A_99 = tpu.memref_slice %arg3[%multiple_of3A, %dma_start3A_98] : memref<4096x128xi32, #tpu.memory_space<hbm>> -> memref<16x128xi32, #tpu.memory_space<hbm>>
      %dma_start3A_100 = arith.constant 0 : i32
      %dma_start3A_101 = tpu.memref_slice %arg3[%multiple_of3A, %dma_start3A_100] : memref<4096x128xi32, #tpu.memory_space<hbm>> -> memref<16x128xi32, #tpu.memory_space<hbm>>
      tpu.enqueue_dma source(%dma_start3A_101 : memref<16x128xi32, #tpu.memory_space<hbm>>) target(%arg10 : memref<16x128xi32, #tpu.memory_space<vmem>>) target_semaphore(%run_scoped3A : memref<!tpu.dma_semaphore, #tpu.memory_space<semaphore_mem>>)
      %dma_wait3A_102 = arith.constant 0 : i32
      %dma_wait3A_103 = tpu.memref_slice %arg3[%multiple_of3A, %dma_wait3A_102] : memref<4096x128xi32, #tpu.memory_space<hbm>> -> memref<16x128xi32, #tpu.memory_space<hbm>>
      %dma_wait3A_104 = arith.constant 0 : i32
      %dma_wait3A_105 = tpu.memref_slice %arg3[%multiple_of3A, %dma_wait3A_104] : memref<4096x128xi32, #tpu.memory_space<hbm>> -> memref<16x128xi32, #tpu.memory_space<hbm>>
      tpu.wait_dma2 semaphore(%run_scoped3A : memref<!tpu.dma_semaphore, #tpu.memory_space<semaphore_mem>>) src(%dma_wait3A_105 : memref<16x128xi32, #tpu.memory_space<hbm>>) dst(%arg10 : memref<16x128xi32, #tpu.memory_space<vmem>>)
      tpu.yield
    }) : () -> ()
    "tpu.region"() ({
      %run_scoped3A = tpu.sem_alloc : memref<!tpu.dma_semaphore, #tpu.memory_space<semaphore_mem>>
      %dma_start3A_98 = arith.constant 0 : i32
      %dma_start3A_99 = tpu.memref_slice %arg4[%multiple_of3A, %dma_start3A_98] : memref<4096x128xi32, #tpu.memory_space<hbm>> -> memref<16x128xi32, #tpu.memory_space<hbm>>
      %dma_start3A_100 = arith.constant 0 : i32
      %dma_start3A_101 = tpu.memref_slice %arg4[%multiple_of3A, %dma_start3A_100] : memref<4096x128xi32, #tpu.memory_space<hbm>> -> memref<16x128xi32, #tpu.memory_space<hbm>>
      tpu.enqueue_dma source(%dma_start3A_101 : memref<16x128xi32, #tpu.memory_space<hbm>>) target(%arg11 : memref<16x128xi32, #tpu.memory_space<vmem>>) target_semaphore(%run_scoped3A : memref<!tpu.dma_semaphore, #tpu.memory_space<semaphore_mem>>)
      %dma_wait3A_102 = arith.constant 0 : i32
      %dma_wait3A_103 = tpu.memref_slice %arg4[%multiple_of3A, %dma_wait3A_102] : memref<4096x128xi32, #tpu.memory_space<hbm>> -> memref<16x128xi32, #tpu.memory_space<hbm>>
      %dma_wait3A_104 = arith.constant 0 : i32
      %dma_wait3A_105 = tpu.memref_slice %arg4[%multiple_of3A, %dma_wait3A_104] : memref<4096x128xi32, #tpu.memory_space<hbm>> -> memref<16x128xi32, #tpu.memory_space<hbm>>
      tpu.wait_dma2 semaphore(%run_scoped3A : memref<!tpu.dma_semaphore, #tpu.memory_space<semaphore_mem>>) src(%dma_wait3A_105 : memref<16x128xi32, #tpu.memory_space<hbm>>) dst(%arg11 : memref<16x128xi32, #tpu.memory_space<vmem>>)
      tpu.yield
    }) : () -> ()
    %scan3A = arith.constant 0 : i32
    %scan3A_25 = arith.constant 0 : i32
    %scan3A_26 = arith.constant 16 : i32
    %scan3A_27 = arith.addi %scan3A_25, %scan3A_26 : i32
    %scan3A_28 = arith.constant 1 : i32
    scf.for %scan3A_98 = %scan3A_25 to %scan3A_27 step %scan3A_28  : i32 {
      %get3A = arith.index_cast %scan3A_98 : i32 to index
      %get3A_99 = arith.constant 0 : index
      %get3A_100 = tpu.vector_load %arg10[%get3A, %get3A_99] {strides = array<i32>} : memref<16x128xi32, #tpu.memory_space<vmem>>, vector<1x16xi32>,
      %get3A_101 = vector.shape_cast %get3A_100 : vector<1x16xi32> to vector<16xi32>
      %mul3A_102 = arith.constant 512 : i32
      %mul3A_103 = vector.broadcast %mul3A_102 : i32 to vector<16xi32>
      %mul3A_104 = arith.muli %get3A_101, %mul3A_103 : vector<16xi32>
      %get3A_105 = arith.index_cast %scan3A_98 : i32 to index
      %get3A_106 = arith.constant 0 : index
      %get3A_107 = tpu.vector_load %arg11[%get3A_105, %get3A_106] {strides = array<i32>} : memref<16x128xi32, #tpu.memory_space<vmem>>, vector<1x16xi32>,
      %get3A_108 = vector.shape_cast %get3A_107 : vector<1x16xi32> to vector<16xi32>
      %add3A_109 = arith.addi %mul3A_104, %get3A_108 : vector<16xi32>
      %add3A_110 = arith.addi %multiple_of3A_24, %scan3A_98 : i32
      %swap3A = arith.index_cast %add3A_110 : i32 to index
      %swap3A_111 = arith.constant 0 : index
      %swap3A_112 = tpu.vector_load %arg12[%swap3A, %swap3A_111] {strides = array<i32>} : memref<32x128xi32, #tpu.memory_space<vmem>>, vector<1x16xi32>,
      %swap3A_113 = vector.shape_cast %swap3A_112 : vector<1x16xi32> to vector<16xi32>
      %swap3A_114 = vector.shape_cast %add3A_109 : vector<16xi32> to vector<1x16xi32>
      tpu.vector_store %arg12[%swap3A, %swap3A_111], %swap3A_114 {strides = array<i32>} : memref<32x128xi32, #tpu.memory_space<vmem>>, vector<1x16xi32>,
      %get3A_115 = arith.index_cast %scan3A_98 : i32 to index
      %get3A_116 = arith.constant 16 : index
      %get3A_117 = tpu.vector_load %arg10[%get3A_115, %get3A_116] {strides = array<i32>} : memref<16x128xi32, #tpu.memory_space<vmem>>, vector<1x16xi32>,
      %get3A_118 = vector.shape_cast %get3A_117 : vector<1x16xi32> to vector<16xi32>
      %mul3A_119 = arith.constant 512 : i32
      %mul3A_120 = vector.broadcast %mul3A_119 : i32 to vector<16xi32>
      %mul3A_121 = arith.muli %get3A_118, %mul3A_120 : vector<16xi32>
      %get3A_122 = arith.index_cast %scan3A_98 : i32 to index
      %get3A_123 = arith.constant 16 : index
      %get3A_124 = tpu.vector_load %arg11[%get3A_122, %get3A_123] {strides = array<i32>} : memref<16x128xi32, #tpu.memory_space<vmem>>, vector<1x16xi32>,
      %get3A_125 = vector.shape_cast %get3A_124 : vector<1x16xi32> to vector<16xi32>
      %add3A_126 = arith.addi %mul3A_121, %get3A_125 : vector<16xi32>
      %add3A_127 = arith.addi %multiple_of3A_24, %scan3A_98 : i32
      %swap3A_128 = arith.index_cast %add3A_127 : i32 to index
      %swap3A_129 = arith.constant 16 : index
      %swap3A_130 = tpu.vector_load %arg12[%swap3A_128, %swap3A_129] {strides = array<i32>} : memref<32x128xi32, #tpu.memory_space<vmem>>, vector<1x16xi32>,
      %swap3A_131 = vector.shape_cast %swap3A_130 : vector<1x16xi32> to vector<16xi32>
      %swap3A_132 = vector.shape_cast %add3A_126 : vector<16xi32> to vector<1x16xi32>
      tpu.vector_store %arg12[%swap3A_128, %swap3A_129], %swap3A_132 {strides = array<i32>} : memref<32x128xi32, #tpu.memory_space<vmem>>, vector<1x16xi32>,
      %get3A_133 = arith.index_cast %scan3A_98 : i32 to index
      %get3A_134 = arith.constant 32 : index
      %get3A_135 = tpu.vector_load %arg10[%get3A_133, %get3A_134] {strides = array<i32>} : memref<16x128xi32, #tpu.memory_space<vmem>>, vector<1x16xi32>,
      %get3A_136 = vector.shape_cast %get3A_135 : vector<1x16xi32> to vector<16xi32>
      %mul3A_137 = arith.constant 512 : i32
      %mul3A_138 = vector.broadcast %mul3A_137 : i32 to vector<16xi32>
      %mul3A_139 = arith.muli %get3A_136, %mul3A_138 : vector<16xi32>
      %get3A_140 = arith.index_cast %scan3A_98 : i32 to index
      %get3A_141 = arith.constant 32 : index
      %get3A_142 = tpu.vector_load %arg11[%get3A_140, %get3A_141] {strides = array<i32>} : memref<16x128xi32, #tpu.memory_space<vmem>>, vector<1x16xi32>,
      %get3A_143 = vector.shape_cast %get3A_142 : vector<1x16xi32> to vector<16xi32>
      %add3A_144 = arith.addi %mul3A_139, %get3A_143 : vector<16xi32>
      %add3A_145 = arith.addi %multiple_of3A_24, %scan3A_98 : i32
      %swap3A_146 = arith.index_cast %add3A_145 : i32 to index
      %swap3A_147 = arith.constant 32 : index
      %swap3A_148 = tpu.vector_load %arg12[%swap3A_146, %swap3A_147] {strides = array<i32>} : memref<32x128xi32, #tpu.memory_space<vmem>>, vector<1x16xi32>,
      %swap3A_149 = vector.shape_cast %swap3A_148 : vector<1x16xi32> to vector<16xi32>
      %swap3A_150 = vector.shape_cast %add3A_144 : vector<16xi32> to vector<1x16xi32>
      tpu.vector_store %arg12[%swap3A_146, %swap3A_147], %swap3A_150 {strides = array<i32>} : memref<32x128xi32, #tpu.memory_space<vmem>>, vector<1x16xi32>,
      %get3A_151 = arith.index_cast %scan3A_98 : i32 to index
      %get3A_152 = arith.constant 48 : index
      %get3A_153 = tpu.vector_load %arg10[%get3A_151, %get3A_152] {strides = array<i32>} : memref<16x128xi32, #tpu.memory_space<vmem>>, vector<1x16xi32>,
      %get3A_154 = vector.shape_cast %get3A_153 : vector<1x16xi32> to vector<16xi32>
      %mul3A_155 = arith.constant 512 : i32
      %mul3A_156 = vector.broadcast %mul3A_155 : i32 to vector<16xi32>
      %mul3A_157 = arith.muli %get3A_154, %mul3A_156 : vector<16xi32>
      %get3A_158 = arith.index_cast %scan3A_98 : i32 to index
      %get3A_159 = arith.constant 48 : index
      %get3A_160 = tpu.vector_load %arg11[%get3A_158, %get3A_159] {strides = array<i32>} : memref<16x128xi32, #tpu.memory_space<vmem>>, vector<1x16xi32>,
      %get3A_161 = vector.shape_cast %get3A_160 : vector<1x16xi32> to vector<16xi32>
      %add3A_162 = arith.addi %mul3A_157, %get3A_161 : vector<16xi32>
      %add3A_163 = arith.addi %multiple_of3A_24, %scan3A_98 : i32
      %swap3A_164 = arith.index_cast %add3A_163 : i32 to index
      %swap3A_165 = arith.constant 48 : index
      %swap3A_166 = tpu.vector_load %arg12[%swap3A_164, %swap3A_165] {strides = array<i32>} : memref<32x128xi32, #tpu.memory_space<vmem>>, vector<1x16xi32>,
      %swap3A_167 = vector.shape_cast %swap3A_166 : vector<1x16xi32> to vector<16xi32>
      %swap3A_168 = vector.shape_cast %add3A_162 : vector<16xi32> to vector<1x16xi32>
      tpu.vector_store %arg12[%swap3A_164, %swap3A_165], %swap3A_168 {strides = array<i32>} : memref<32x128xi32, #tpu.memory_space<vmem>>, vector<1x16xi32>,
      %get3A_169 = arith.index_cast %scan3A_98 : i32 to index
      %get3A_170 = arith.constant 64 : index
      %get3A_171 = tpu.vector_load %arg10[%get3A_169, %get3A_170] {strides = array<i32>} : memref<16x128xi32, #tpu.memory_space<vmem>>, vector<1x16xi32>,
      %get3A_172 = vector.shape_cast %get3A_171 : vector<1x16xi32> to vector<16xi32>
      %mul3A_173 = arith.constant 512 : i32
      %mul3A_174 = vector.broadcast %mul3A_173 : i32 to vector<16xi32>
      %mul3A_175 = arith.muli %get3A_172, %mul3A_174 : vector<16xi32>
      %get3A_176 = arith.index_cast %scan3A_98 : i32 to index
      %get3A_177 = arith.constant 64 : index
      %get3A_178 = tpu.vector_load %arg11[%get3A_176, %get3A_177] {strides = array<i32>} : memref<16x128xi32, #tpu.memory_space<vmem>>, vector<1x16xi32>,
      %get3A_179 = vector.shape_cast %get3A_178 : vector<1x16xi32> to vector<16xi32>
      %add3A_180 = arith.addi %mul3A_175, %get3A_179 : vector<16xi32>
      %add3A_181 = arith.addi %multiple_of3A_24, %scan3A_98 : i32
      %swap3A_182 = arith.index_cast %add3A_181 : i32 to index
      %swap3A_183 = arith.constant 64 : index
      %swap3A_184 = tpu.vector_load %arg12[%swap3A_182, %swap3A_183] {strides = array<i32>} : memref<32x128xi32, #tpu.memory_space<vmem>>, vector<1x16xi32>,
      %swap3A_185 = vector.shape_cast %swap3A_184 : vector<1x16xi32> to vector<16xi32>
      %swap3A_186 = vector.shape_cast %add3A_180 : vector<16xi32> to vector<1x16xi32>
      tpu.vector_store %arg12[%swap3A_182, %swap3A_183], %swap3A_186 {strides = array<i32>} : memref<32x128xi32, #tpu.memory_space<vmem>>, vector<1x16xi32>,
      %get3A_187 = arith.index_cast %scan3A_98 : i32 to index
      %get3A_188 = arith.constant 80 : index
      %get3A_189 = tpu.vector_load %arg10[%get3A_187, %get3A_188] {strides = array<i32>} : memref<16x128xi32, #tpu.memory_space<vmem>>, vector<1x16xi32>,
      %get3A_190 = vector.shape_cast %get3A_189 : vector<1x16xi32> to vector<16xi32>
      %mul3A_191 = arith.constant 512 : i32
      %mul3A_192 = vector.broadcast %mul3A_191 : i32 to vector<16xi32>
      %mul3A_193 = arith.muli %get3A_190, %mul3A_192 : vector<16xi32>
      %get3A_194 = arith.index_cast %scan3A_98 : i32 to index
      %get3A_195 = arith.constant 80 : index
      %get3A_196 = tpu.vector_load %arg11[%get3A_194, %get3A_195] {strides = array<i32>} : memref<16x128xi32, #tpu.memory_space<vmem>>, vector<1x16xi32>,
      %get3A_197 = vector.shape_cast %get3A_196 : vector<1x16xi32> to vector<16xi32>
      %add3A_198 = arith.addi %mul3A_193, %get3A_197 : vector<16xi32>
      %add3A_199 = arith.addi %multiple_of3A_24, %scan3A_98 : i32
      %swap3A_200 = arith.index_cast %add3A_199 : i32 to index
      %swap3A_201 = arith.constant 80 : index
      %swap3A_202 = tpu.vector_load %arg12[%swap3A_200, %swap3A_201] {strides = array<i32>} : memref<32x128xi32, #tpu.memory_space<vmem>>, vector<1x16xi32>,
      %swap3A_203 = vector.shape_cast %swap3A_202 : vector<1x16xi32> to vector<16xi32>
      %swap3A_204 = vector.shape_cast %add3A_198 : vector<16xi32> to vector<1x16xi32>
      tpu.vector_store %arg12[%swap3A_200, %swap3A_201], %swap3A_204 {strides = array<i32>} : memref<32x128xi32, #tpu.memory_space<vmem>>, vector<1x16xi32>,
      %get3A_205 = arith.index_cast %scan3A_98 : i32 to index
      %get3A_206 = arith.constant 96 : index
      %get3A_207 = tpu.vector_load %arg10[%get3A_205, %get3A_206] {strides = array<i32>} : memref<16x128xi32, #tpu.memory_space<vmem>>, vector<1x16xi32>,
      %get3A_208 = vector.shape_cast %get3A_207 : vector<1x16xi32> to vector<16xi32>
      %mul3A_209 = arith.constant 512 : i32
      %mul3A_210 = vector.broadcast %mul3A_209 : i32 to vector<16xi32>
      %mul3A_211 = arith.muli %get3A_208, %mul3A_210 : vector<16xi32>
      %get3A_212 = arith.index_cast %scan3A_98 : i32 to index
      %get3A_213 = arith.constant 96 : index
      %get3A_214 = tpu.vector_load %arg11[%get3A_212, %get3A_213] {strides = array<i32>} : memref<16x128xi32, #tpu.memory_space<vmem>>, vector<1x16xi32>,
      %get3A_215 = vector.shape_cast %get3A_214 : vector<1x16xi32> to vector<16xi32>
      %add3A_216 = arith.addi %mul3A_211, %get3A_215 : vector<16xi32>
      %add3A_217 = arith.addi %multiple_of3A_24, %scan3A_98 : i32
      %swap3A_218 = arith.index_cast %add3A_217 : i32 to index
      %swap3A_219 = arith.constant 96 : index
      %swap3A_220 = tpu.vector_load %arg12[%swap3A_218, %swap3A_219] {strides = array<i32>} : memref<32x128xi32, #tpu.memory_space<vmem>>, vector<1x16xi32>,
      %swap3A_221 = vector.shape_cast %swap3A_220 : vector<1x16xi32> to vector<16xi32>
      %swap3A_222 = vector.shape_cast %add3A_216 : vector<16xi32> to vector<1x16xi32>
      tpu.vector_store %arg12[%swap3A_218, %swap3A_219], %swap3A_222 {strides = array<i32>} : memref<32x128xi32, #tpu.memory_space<vmem>>, vector<1x16xi32>,
      %get3A_223 = arith.index_cast %scan3A_98 : i32 to index
      %get3A_224 = arith.constant 112 : index
      %get3A_225 = tpu.vector_load %arg10[%get3A_223, %get3A_224] {strides = array<i32>} : memref<16x128xi32, #tpu.memory_space<vmem>>, vector<1x16xi32>,
      %get3A_226 = vector.shape_cast %get3A_225 : vector<1x16xi32> to vector<16xi32>
      %mul3A_227 = arith.constant 512 : i32
      %mul3A_228 = vector.broadcast %mul3A_227 : i32 to vector<16xi32>
      %mul3A_229 = arith.muli %get3A_226, %mul3A_228 : vector<16xi32>
      %get3A_230 = arith.index_cast %scan3A_98 : i32 to index
      %get3A_231 = arith.constant 112 : index
      %get3A_232 = tpu.vector_load %arg11[%get3A_230, %get3A_231] {strides = array<i32>} : memref<16x128xi32, #tpu.memory_space<vmem>>, vector<1x16xi32>,
      %get3A_233 = vector.shape_cast %get3A_232 : vector<1x16xi32> to vector<16xi32>
      %add3A_234 = arith.addi %mul3A_229, %get3A_233 : vector<16xi32>
      %add3A_235 = arith.addi %multiple_of3A_24, %scan3A_98 : i32
      %swap3A_236 = arith.index_cast %add3A_235 : i32 to index
      %swap3A_237 = arith.constant 112 : index
      %swap3A_238 = tpu.vector_load %arg12[%swap3A_236, %swap3A_237] {strides = array<i32>} : memref<32x128xi32, #tpu.memory_space<vmem>>, vector<1x16xi32>,
      %swap3A_239 = vector.shape_cast %swap3A_238 : vector<1x16xi32> to vector<16xi32>
      %swap3A_240 = vector.shape_cast %add3A_234 : vector<16xi32> to vector<1x16xi32>
      tpu.vector_store %arg12[%swap3A_236, %swap3A_237], %swap3A_240 {strides = array<i32>} : memref<32x128xi32, #tpu.memory_space<vmem>>, vector<1x16xi32>,
    }
    %scan3A_29 = arith.constant 16 : i32
    %mul3A_30 = arith.constant 64 : i32
    %mul3A_31 = arith.muli %arg1, %mul3A_30 : i32
    %multiple_of3A_32 = tpu.assume_multiple %mul3A_31, 64 : i32
    %jit3A_33 = arith.constant 512 : i32
    %div3A_34 = arith.divsi %multiple_of3A_32, %jit3A_33 : i32
    %sign3A_35 = arith.constant 0 : i32
    %sign3A_36 = arith.cmpi sgt, %multiple_of3A_32, %sign3A_35 : i32
    %sign3A_37 = arith.extui %sign3A_36 : i1 to i32
    %sign3A_38 = arith.constant 0 : i32
    %sign3A_39 = arith.cmpi slt, %multiple_of3A_32, %sign3A_38 : i32
    %sign3A_40 = arith.extui %sign3A_39 : i1 to i32
    %sign3A_41 = arith.subi %sign3A_37, %sign3A_40 : i32
    %sign3A_42 = arith.constant 0 : i32
    %sign3A_43 = arith.cmpi sgt, %jit3A_33, %sign3A_42 : i32
    %sign3A_44 = arith.extui %sign3A_43 : i1 to i32
    %sign3A_45 = arith.constant 0 : i32
    %sign3A_46 = arith.cmpi slt, %jit3A_33, %sign3A_45 : i32
    %sign3A_47 = arith.extui %sign3A_46 : i1 to i32
    %sign3A_48 = arith.subi %sign3A_44, %sign3A_47 : i32
    %ne3A_49 = arith.cmpi ne, %sign3A_41, %sign3A_48 : i32
    %rem3A_50 = arith.remsi %multiple_of3A_32, %jit3A_33 : i32
    %ne3A_51 = arith.constant 0 : i32
    %ne3A_52 = arith.cmpi ne, %rem3A_50, %ne3A_51 : i32
    %and3A_53 = arith.andi %ne3A_49, %ne3A_52 : i1
    %sub3A_54 = arith.constant 1 : i32
    %sub3A_55 = arith.subi %div3A_34, %sub3A_54 : i32
    %select_n3A_56 = arith.select %and3A_53, %sub3A_55, %div3A_34 : i32
    %rem3A_57 = arith.constant 512 : i32
    %rem3A_58 = arith.remsi %multiple_of3A_32, %rem3A_57 : i32
    %multiple_of3A_59 = tpu.assume_multiple %rem3A_58, 64 : i32
    "tpu.region"() ({
      %run_scoped3A = tpu.sem_alloc : memref<!tpu.dma_semaphore, #tpu.memory_space<semaphore_mem>>
      tpu.enqueue_dma source(%arg6 : memref<2x128xf32, #tpu.memory_space<hbm>>) target(%arg17 : memref<2x128xf32, #tpu.memory_space<vmem>>) target_semaphore(%run_scoped3A : memref<!tpu.dma_semaphore, #tpu.memory_space<semaphore_mem>>)
      tpu.wait_dma2 semaphore(%run_scoped3A : memref<!tpu.dma_semaphore, #tpu.memory_space<semaphore_mem>>) src(%arg6 : memref<2x128xf32, #tpu.memory_space<hbm>>) dst(%arg17 : memref<2x128xf32, #tpu.memory_space<vmem>>)
      tpu.yield
    }) : () -> ()
    "tpu.region"() ({
      %run_scoped3A = tpu.sem_alloc : memref<!tpu.dma_semaphore, #tpu.memory_space<semaphore_mem>>
      %dma_start3A_98 = arith.constant 0 : i32
      %dma_start3A_99 = tpu.memref_slice %arg7[%multiple_of3A_59, %dma_start3A_98] : memref<512x128xf32, #tpu.memory_space<hbm>> -> memref<64x128xf32, #tpu.memory_space<hbm>>
      %dma_start3A_100 = arith.constant 0 : i32
      %dma_start3A_101 = tpu.memref_slice %arg7[%multiple_of3A_59, %dma_start3A_100] : memref<512x128xf32, #tpu.memory_space<hbm>> -> memref<64x128xf32, #tpu.memory_space<hbm>>
      tpu.enqueue_dma source(%dma_start3A_101 : memref<64x128xf32, #tpu.memory_space<hbm>>) target(%arg18 : memref<64x128xf32, #tpu.memory_space<vmem>>) target_semaphore(%run_scoped3A : memref<!tpu.dma_semaphore, #tpu.memory_space<semaphore_mem>>)
      %dma_wait3A_102 = arith.constant 0 : i32
      %dma_wait3A_103 = tpu.memref_slice %arg7[%multiple_of3A_59, %dma_wait3A_102] : memref<512x128xf32, #tpu.memory_space<hbm>> -> memref<64x128xf32, #tpu.memory_space<hbm>>
      %dma_wait3A_104 = arith.constant 0 : i32
      %dma_wait3A_105 = tpu.memref_slice %arg7[%multiple_of3A_59, %dma_wait3A_104] : memref<512x128xf32, #tpu.memory_space<hbm>> -> memref<64x128xf32, #tpu.memory_space<hbm>>
      tpu.wait_dma2 semaphore(%run_scoped3A : memref<!tpu.dma_semaphore, #tpu.memory_space<semaphore_mem>>) src(%dma_wait3A_105 : memref<64x128xf32, #tpu.memory_space<hbm>>) dst(%arg18 : memref<64x128xf32, #tpu.memory_space<vmem>>)
      tpu.yield
    }) : () -> ()
    %scan3A_60 = arith.constant 0 : i32
    %scan3A_61 = arith.constant 0 : i32
    %scan3A_62 = arith.constant 64 : i32
    %scan3A_63 = arith.addi %scan3A_61, %scan3A_62 : i32
    %scan3A_64 = arith.constant 1 : i32
    scf.for %scan3A_98 = %scan3A_61 to %scan3A_63 step %scan3A_64  : i32 {
      %get3A = arith.index_cast %scan3A_98 : i32 to index
      %get3A_99 = arith.constant 0 : index
      %get3A_100 = tpu.vector_load %arg18[%get3A, %get3A_99] {strides = array<i32>} : memref<64x128xf32, #tpu.memory_space<vmem>>, vector<1x16xf32>,
      %get3A_101 = vector.shape_cast %get3A_100 : vector<1x16xf32> to vector<16xf32>
      %get3A_102 = arith.index_cast %select_n3A_56 : i32 to index
      %get3A_103 = arith.constant 0 : index
      %get3A_104 = tpu.vector_load %arg17[%get3A_102, %get3A_103] {strides = array<i32>} : memref<2x128xf32, #tpu.memory_space<vmem>>, vector<1x16xf32>,
      %get3A_105 = vector.shape_cast %get3A_104 : vector<1x16xf32> to vector<16xf32>
      %add3A_106 = arith.addf %get3A_101, %get3A_105 : vector<16xf32>
      %swap3A = arith.index_cast %scan3A_98 : i32 to index
      %swap3A_107 = arith.constant 0 : index
      %swap3A_108 = tpu.vector_load %arg18[%swap3A, %swap3A_107] {strides = array<i32>} : memref<64x128xf32, #tpu.memory_space<vmem>>, vector<1x16xf32>,
      %swap3A_109 = vector.shape_cast %swap3A_108 : vector<1x16xf32> to vector<16xf32>
      %swap3A_110 = vector.shape_cast %add3A_106 : vector<16xf32> to vector<1x16xf32>
      tpu.vector_store %arg18[%swap3A, %swap3A_107], %swap3A_110 {strides = array<i32>} : memref<64x128xf32, #tpu.memory_space<vmem>>, vector<1x16xf32>,
      %get3A_111 = arith.index_cast %scan3A_98 : i32 to index
      %get3A_112 = arith.constant 16 : index
      %get3A_113 = tpu.vector_load %arg18[%get3A_111, %get3A_112] {strides = array<i32>} : memref<64x128xf32, #tpu.memory_space<vmem>>, vector<1x16xf32>,
      %get3A_114 = vector.shape_cast %get3A_113 : vector<1x16xf32> to vector<16xf32>
      %get3A_115 = arith.index_cast %select_n3A_56 : i32 to index
      %get3A_116 = arith.constant 16 : index
      %get3A_117 = tpu.vector_load %arg17[%get3A_115, %get3A_116] {strides = array<i32>} : memref<2x128xf32, #tpu.memory_space<vmem>>, vector<1x16xf32>,
      %get3A_118 = vector.shape_cast %get3A_117 : vector<1x16xf32> to vector<16xf32>
      %add3A_119 = arith.addf %get3A_114, %get3A_118 : vector<16xf32>
      %swap3A_120 = arith.index_cast %scan3A_98 : i32 to index
      %swap3A_121 = arith.constant 16 : index
      %swap3A_122 = tpu.vector_load %arg18[%swap3A_120, %swap3A_121] {strides = array<i32>} : memref<64x128xf32, #tpu.memory_space<vmem>>, vector<1x16xf32>,
      %swap3A_123 = vector.shape_cast %swap3A_122 : vector<1x16xf32> to vector<16xf32>
      %swap3A_124 = vector.shape_cast %add3A_119 : vector<16xf32> to vector<1x16xf32>
      tpu.vector_store %arg18[%swap3A_120, %swap3A_121], %swap3A_124 {strides = array<i32>} : memref<64x128xf32, #tpu.memory_space<vmem>>, vector<1x16xf32>,
      %get3A_125 = arith.index_cast %scan3A_98 : i32 to index
      %get3A_126 = arith.constant 32 : index
      %get3A_127 = tpu.vector_load %arg18[%get3A_125, %get3A_126] {strides = array<i32>} : memref<64x128xf32, #tpu.memory_space<vmem>>, vector<1x16xf32>,
      %get3A_128 = vector.shape_cast %get3A_127 : vector<1x16xf32> to vector<16xf32>
      %get3A_129 = arith.index_cast %select_n3A_56 : i32 to index
      %get3A_130 = arith.constant 32 : index
      %get3A_131 = tpu.vector_load %arg17[%get3A_129, %get3A_130] {strides = array<i32>} : memref<2x128xf32, #tpu.memory_space<vmem>>, vector<1x16xf32>,
      %get3A_132 = vector.shape_cast %get3A_131 : vector<1x16xf32> to vector<16xf32>
      %add3A_133 = arith.addf %get3A_128, %get3A_132 : vector<16xf32>
      %swap3A_134 = arith.index_cast %scan3A_98 : i32 to index
      %swap3A_135 = arith.constant 32 : index
      %swap3A_136 = tpu.vector_load %arg18[%swap3A_134, %swap3A_135] {strides = array<i32>} : memref<64x128xf32, #tpu.memory_space<vmem>>, vector<1x16xf32>,
      %swap3A_137 = vector.shape_cast %swap3A_136 : vector<1x16xf32> to vector<16xf32>
      %swap3A_138 = vector.shape_cast %add3A_133 : vector<16xf32> to vector<1x16xf32>
      tpu.vector_store %arg18[%swap3A_134, %swap3A_135], %swap3A_138 {strides = array<i32>} : memref<64x128xf32, #tpu.memory_space<vmem>>, vector<1x16xf32>,
      %get3A_139 = arith.index_cast %scan3A_98 : i32 to index
      %get3A_140 = arith.constant 48 : index
      %get3A_141 = tpu.vector_load %arg18[%get3A_139, %get3A_140] {strides = array<i32>} : memref<64x128xf32, #tpu.memory_space<vmem>>, vector<1x16xf32>,
      %get3A_142 = vector.shape_cast %get3A_141 : vector<1x16xf32> to vector<16xf32>
      %get3A_143 = arith.index_cast %select_n3A_56 : i32 to index
      %get3A_144 = arith.constant 48 : index
      %get3A_145 = tpu.vector_load %arg17[%get3A_143, %get3A_144] {strides = array<i32>} : memref<2x128xf32, #tpu.memory_space<vmem>>, vector<1x16xf32>,
      %get3A_146 = vector.shape_cast %get3A_145 : vector<1x16xf32> to vector<16xf32>
      %add3A_147 = arith.addf %get3A_142, %get3A_146 : vector<16xf32>
      %swap3A_148 = arith.index_cast %scan3A_98 : i32 to index
      %swap3A_149 = arith.constant 48 : index
      %swap3A_150 = tpu.vector_load %arg18[%swap3A_148, %swap3A_149] {strides = array<i32>} : memref<64x128xf32, #tpu.memory_space<vmem>>, vector<1x16xf32>,
      %swap3A_151 = vector.shape_cast %swap3A_150 : vector<1x16xf32> to vector<16xf32>
      %swap3A_152 = vector.shape_cast %add3A_147 : vector<16xf32> to vector<1x16xf32>
      tpu.vector_store %arg18[%swap3A_148, %swap3A_149], %swap3A_152 {strides = array<i32>} : memref<64x128xf32, #tpu.memory_space<vmem>>, vector<1x16xf32>,
      %get3A_153 = arith.index_cast %scan3A_98 : i32 to index
      %get3A_154 = arith.constant 64 : index
      %get3A_155 = tpu.vector_load %arg18[%get3A_153, %get3A_154] {strides = array<i32>} : memref<64x128xf32, #tpu.memory_space<vmem>>, vector<1x16xf32>,
      %get3A_156 = vector.shape_cast %get3A_155 : vector<1x16xf32> to vector<16xf32>
      %get3A_157 = arith.index_cast %select_n3A_56 : i32 to index
      %get3A_158 = arith.constant 64 : index
      %get3A_159 = tpu.vector_load %arg17[%get3A_157, %get3A_158] {strides = array<i32>} : memref<2x128xf32, #tpu.memory_space<vmem>>, vector<1x16xf32>,
      %get3A_160 = vector.shape_cast %get3A_159 : vector<1x16xf32> to vector<16xf32>
      %add3A_161 = arith.addf %get3A_156, %get3A_160 : vector<16xf32>
      %swap3A_162 = arith.index_cast %scan3A_98 : i32 to index
      %swap3A_163 = arith.constant 64 : index
      %swap3A_164 = tpu.vector_load %arg18[%swap3A_162, %swap3A_163] {strides = array<i32>} : memref<64x128xf32, #tpu.memory_space<vmem>>, vector<1x16xf32>,
      %swap3A_165 = vector.shape_cast %swap3A_164 : vector<1x16xf32> to vector<16xf32>
      %swap3A_166 = vector.shape_cast %add3A_161 : vector<16xf32> to vector<1x16xf32>
      tpu.vector_store %arg18[%swap3A_162, %swap3A_163], %swap3A_166 {strides = array<i32>} : memref<64x128xf32, #tpu.memory_space<vmem>>, vector<1x16xf32>,
      %get3A_167 = arith.index_cast %scan3A_98 : i32 to index
      %get3A_168 = arith.constant 80 : index
      %get3A_169 = tpu.vector_load %arg18[%get3A_167, %get3A_168] {strides = array<i32>} : memref<64x128xf32, #tpu.memory_space<vmem>>, vector<1x16xf32>,
      %get3A_170 = vector.shape_cast %get3A_169 : vector<1x16xf32> to vector<16xf32>
      %get3A_171 = arith.index_cast %select_n3A_56 : i32 to index
      %get3A_172 = arith.constant 80 : index
      %get3A_173 = tpu.vector_load %arg17[%get3A_171, %get3A_172] {strides = array<i32>} : memref<2x128xf32, #tpu.memory_space<vmem>>, vector<1x16xf32>,
      %get3A_174 = vector.shape_cast %get3A_173 : vector<1x16xf32> to vector<16xf32>
      %add3A_175 = arith.addf %get3A_170, %get3A_174 : vector<16xf32>
      %swap3A_176 = arith.index_cast %scan3A_98 : i32 to index
      %swap3A_177 = arith.constant 80 : index
      %swap3A_178 = tpu.vector_load %arg18[%swap3A_176, %swap3A_177] {strides = array<i32>} : memref<64x128xf32, #tpu.memory_space<vmem>>, vector<1x16xf32>,
      %swap3A_179 = vector.shape_cast %swap3A_178 : vector<1x16xf32> to vector<16xf32>
      %swap3A_180 = vector.shape_cast %add3A_175 : vector<16xf32> to vector<1x16xf32>
      tpu.vector_store %arg18[%swap3A_176, %swap3A_177], %swap3A_180 {strides = array<i32>} : memref<64x128xf32, #tpu.memory_space<vmem>>, vector<1x16xf32>,
      %get3A_181 = arith.index_cast %scan3A_98 : i32 to index
      %get3A_182 = arith.constant 96 : index
      %get3A_183 = tpu.vector_load %arg18[%get3A_181, %get3A_182] {strides = array<i32>} : memref<64x128xf32, #tpu.memory_space<vmem>>, vector<1x16xf32>,
      %get3A_184 = vector.shape_cast %get3A_183 : vector<1x16xf32> to vector<16xf32>
      %get3A_185 = arith.index_cast %select_n3A_56 : i32 to index
      %get3A_186 = arith.constant 96 : index
      %get3A_187 = tpu.vector_load %arg17[%get3A_185, %get3A_186] {strides = array<i32>} : memref<2x128xf32, #tpu.memory_space<vmem>>, vector<1x16xf32>,
      %get3A_188 = vector.shape_cast %get3A_187 : vector<1x16xf32> to vector<16xf32>
      %add3A_189 = arith.addf %get3A_184, %get3A_188 : vector<16xf32>
      %swap3A_190 = arith.index_cast %scan3A_98 : i32 to index
      %swap3A_191 = arith.constant 96 : index
      %swap3A_192 = tpu.vector_load %arg18[%swap3A_190, %swap3A_191] {strides = array<i32>} : memref<64x128xf32, #tpu.memory_space<vmem>>, vector<1x16xf32>,
      %swap3A_193 = vector.shape_cast %swap3A_192 : vector<1x16xf32> to vector<16xf32>
      %swap3A_194 = vector.shape_cast %add3A_189 : vector<16xf32> to vector<1x16xf32>
      tpu.vector_store %arg18[%swap3A_190, %swap3A_191], %swap3A_194 {strides = array<i32>} : memref<64x128xf32, #tpu.memory_space<vmem>>, vector<1x16xf32>,
      %get3A_195 = arith.index_cast %scan3A_98 : i32 to index
      %get3A_196 = arith.constant 112 : index
      %get3A_197 = tpu.vector_load %arg18[%get3A_195, %get3A_196] {strides = array<i32>} : memref<64x128xf32, #tpu.memory_space<vmem>>, vector<1x16xf32>,
      %get3A_198 = vector.shape_cast %get3A_197 : vector<1x16xf32> to vector<16xf32>
      %get3A_199 = arith.index_cast %select_n3A_56 : i32 to index
      %get3A_200 = arith.constant 112 : index
      %get3A_201 = tpu.vector_load %arg17[%get3A_199, %get3A_200] {strides = array<i32>} : memref<2x128xf32, #tpu.memory_space<vmem>>, vector<1x16xf32>,
      %get3A_202 = vector.shape_cast %get3A_201 : vector<1x16xf32> to vector<16xf32>
      %add3A_203 = arith.addf %get3A_198, %get3A_202 : vector<16xf32>
      %swap3A_204 = arith.index_cast %scan3A_98 : i32 to index
      %swap3A_205 = arith.constant 112 : index
      %swap3A_206 = tpu.vector_load %arg18[%swap3A_204, %swap3A_205] {strides = array<i32>} : memref<64x128xf32, #tpu.memory_space<vmem>>, vector<1x16xf32>,
      %swap3A_207 = vector.shape_cast %swap3A_206 : vector<1x16xf32> to vector<16xf32>
      %swap3A_208 = vector.shape_cast %add3A_203 : vector<16xf32> to vector<1x16xf32>
      tpu.vector_store %arg18[%swap3A_204, %swap3A_205], %swap3A_208 {strides = array<i32>} : memref<64x128xf32, #tpu.memory_space<vmem>>, vector<1x16xf32>,
    }
    %scan3A_65 = arith.constant 64 : i32
    "tpu.region"() ({
      %run_scoped3A = tpu.sem_alloc : memref<!tpu.dma_semaphore, #tpu.memory_space<semaphore_mem>>
      %dma_start3A_98 = arith.constant 0 : i32
      %dma_start3A_99 = tpu.memref_slice %arg19[%multiple_of3A_32, %dma_start3A_98] : memref<1024x128xf32, #tpu.memory_space<vmem_shared>> -> memref<64x128xf32, #tpu.memory_space<vmem_shared>>
      %dma_start3A_100 = arith.constant 0 : i32
      %dma_start3A_101 = tpu.memref_slice %arg19[%multiple_of3A_32, %dma_start3A_100] : memref<1024x128xf32, #tpu.memory_space<vmem_shared>> -> memref<64x128xf32, #tpu.memory_space<vmem_shared>>
      tpu.enqueue_dma source(%arg18 : memref<64x128xf32, #tpu.memory_space<vmem>>) target(%dma_start3A_101 : memref<64x128xf32, #tpu.memory_space<vmem_shared>>) target_semaphore(%run_scoped3A : memref<!tpu.dma_semaphore, #tpu.memory_space<semaphore_mem>>)
      %dma_wait3A_102 = arith.constant 0 : i32
      %dma_wait3A_103 = tpu.memref_slice %arg19[%multiple_of3A_32, %dma_wait3A_102] : memref<1024x128xf32, #tpu.memory_space<vmem_shared>> -> memref<64x128xf32, #tpu.memory_space<vmem_shared>>
      %dma_wait3A_104 = arith.constant 0 : i32
      %dma_wait3A_105 = tpu.memref_slice %arg19[%multiple_of3A_32, %dma_wait3A_104] : memref<1024x128xf32, #tpu.memory_space<vmem_shared>> -> memref<64x128xf32, #tpu.memory_space<vmem_shared>>
      tpu.wait_dma2 semaphore(%run_scoped3A : memref<!tpu.dma_semaphore, #tpu.memory_space<semaphore_mem>>) src(%arg18 : memref<64x128xf32, #tpu.memory_space<vmem>>) dst(%dma_wait3A_105 : memref<64x128xf32, #tpu.memory_space<vmem_shared>>)
      tpu.yield
    }) : () -> ()
    %barrier3A = arith.constant 0 : index
    tpu.barrier barrier_id(%barrier3A)
    "tpu.region"() ({
      %run_scoped3A = tpu.sem_alloc : memref<!tpu.dma_semaphore, #tpu.memory_space<semaphore_mem>>
      %dma_start3A_98 = arith.constant 0 : i32
      %dma_start3A_99 = tpu.memref_slice %arg19[%multiple_of3A_32, %dma_start3A_98] : memref<1024x128xf32, #tpu.memory_space<vmem_shared>> -> memref<64x128xf32, #tpu.memory_space<vmem_shared>>
      %dma_start3A_100 = arith.constant 0 : i32
      %dma_start3A_101 = tpu.memref_slice %arg19[%multiple_of3A_32, %dma_start3A_100] : memref<1024x128xf32, #tpu.memory_space<vmem_shared>> -> memref<64x128xf32, #tpu.memory_space<vmem_shared>>
      tpu.enqueue_dma source(%arg18 : memref<64x128xf32, #tpu.memory_space<vmem>>) target(%dma_start3A_101 : memref<64x128xf32, #tpu.memory_space<vmem_shared>>) target_semaphore(%run_scoped3A : memref<!tpu.dma_semaphore, #tpu.memory_space<semaphore_mem>>)
      %dma_wait3A_102 = arith.constant 0 : i32
      %dma_wait3A_103 = tpu.memref_slice %arg19[%multiple_of3A_32, %dma_wait3A_102] : memref<1024x128xf32, #tpu.memory_space<vmem_shared>> -> memref<64x128xf32, #tpu.memory_space<vmem_shared>>
      %dma_wait3A_104 = arith.constant 0 : i32
      %dma_wait3A_105 = tpu.memref_slice %arg19[%multiple_of3A_32, %dma_wait3A_104] : memref<1024x128xf32, #tpu.memory_space<vmem_shared>> -> memref<64x128xf32, #tpu.memory_space<vmem_shared>>
      tpu.wait_dma2 semaphore(%run_scoped3A : memref<!tpu.dma_semaphore, #tpu.memory_space<semaphore_mem>>) src(%arg18 : memref<64x128xf32, #tpu.memory_space<vmem>>) dst(%dma_wait3A_105 : memref<64x128xf32, #tpu.memory_space<vmem_shared>>)
      tpu.yield
    }) : () -> ()
    %barrier3A_66 = arith.constant 0 : index
    tpu.barrier barrier_id(%barrier3A_66)
    %rem3A_67 = arith.constant 0 : i32
    %rem3A_68 = arith.constant 32 : i32
    %rem3A_69 = arith.remsi %rem3A_67, %rem3A_68 : i32
    %dma_start3A = arith.constant 0 : i32
    %dma_start3A_70 = tpu.memref_slice %arg9[%rem3A_69, %dma_start3A] : memref<32x128xi32, #tpu.memory_space<vmem>> -> memref<1x128xi32, #tpu.memory_space<vmem>>
    %dma_start3A_71 = tpu.memref_squeeze %dma_start3A_70 : memref<1x128xi32, #tpu.memory_space<vmem>> -> memref<128xi32, #tpu.memory_space<vmem>>
    %dma_start3A_72 = arith.constant 0 : i32
    %dma_start3A_73 = arith.constant 0 : i32
    %dma_start3A_74 = tpu.memref_slice %arg5[%dma_start3A_72, %dma_start3A_73] : memref<100000x128xf32, #tpu.memory_space<hbm>> -> memref<100000x128xf32, #tpu.memory_space<hbm>>
    tpu.enqueue_indirect_dma source(%dma_start3A_74 : memref<100000x128xf32, #tpu.memory_space<hbm>>) target(%arg13 : memref<128x128xf32, #tpu.memory_space<vmem>>) offsets(%dma_start3A_71 : memref<128xi32, #tpu.memory_space<vmem>>) semaphore(%arg20 : memref<!tpu.dma_semaphore, #tpu.memory_space<semaphore_mem>>)
    %dma_start3A_75 = arith.constant 0 : i32
    %dma_start3A_76 = tpu.memref_slice %arg12[%rem3A_69, %dma_start3A_75] : memref<32x128xi32, #tpu.memory_space<vmem>> -> memref<1x128xi32, #tpu.memory_space<vmem>>
    %dma_start3A_77 = tpu.memref_squeeze %dma_start3A_76 : memref<1x128xi32, #tpu.memory_space<vmem>> -> memref<128xi32, #tpu.memory_space<vmem>>
    %dma_start3A_78 = arith.constant 0 : i32
    %dma_start3A_79 = arith.constant 0 : i32
    %dma_start3A_80 = tpu.memref_slice %arg19[%dma_start3A_78, %dma_start3A_79] : memref<1024x128xf32, #tpu.memory_space<vmem_shared>> -> memref<1024x128xf32, #tpu.memory_space<vmem_shared>>
    tpu.enqueue_indirect_dma source(%dma_start3A_80 : memref<1024x128xf32, #tpu.memory_space<vmem_shared>>) target(%arg15 : memref<128x128xf32, #tpu.memory_space<vmem>>) offsets(%dma_start3A_77 : memref<128xi32, #tpu.memory_space<vmem>>) semaphore(%arg22 : memref<!tpu.dma_semaphore, #tpu.memory_space<semaphore_mem>>)
    %scan3A_81 = arith.constant 0 : i32
    %scan3A_82 = arith.constant 0 : i32
    %scan3A_83 = arith.constant 64 : i32
    %scan3A_84 = arith.addi %scan3A_82, %scan3A_83 : i32
    %scan3A_85 = arith.constant 1 : i32
    scf.for %scan3A_98 = %scan3A_82 to %scan3A_84 step %scan3A_85  : i32 {
      %mul3A_99 = arith.constant 2 : i32
      %mul3A_100 = arith.muli %scan3A_98, %mul3A_99 : i32
      %add3A_101 = arith.constant 0 : i32
      %add3A_102 = arith.addi %mul3A_100, %add3A_101 : i32
      %dma_wait3A_103 = arith.constant 0 : i32
      %dma_wait3A_104 = arith.constant 0 : i32
      %dma_wait3A_105 = tpu.memref_slice %arg9[%dma_wait3A_103, %dma_wait3A_104] : memref<32x128xi32, #tpu.memory_space<vmem>> -> memref<1x128xi32, #tpu.memory_space<vmem>>
      %dma_wait3A_106 = tpu.memref_squeeze %dma_wait3A_105 : memref<1x128xi32, #tpu.memory_space<vmem>> -> memref<128xi32, #tpu.memory_space<vmem>>
      %dma_wait3A_107 = arith.constant 0 : i32
      %dma_wait3A_108 = arith.constant 0 : i32
      %dma_wait3A_109 = tpu.memref_slice %arg5[%dma_wait3A_107, %dma_wait3A_108] : memref<100000x128xf32, #tpu.memory_space<hbm>> -> memref<100000x128xf32, #tpu.memory_space<hbm>>
      tpu.wait_indirect_dma semaphore(%arg20 : memref<!tpu.dma_semaphore, #tpu.memory_space<semaphore_mem>>) src(%dma_wait3A_109 : memref<100000x128xf32, #tpu.memory_space<hbm>>) dst(%arg13 : memref<128x128xf32, #tpu.memory_space<vmem>>)
      %dma_wait3A_110 = arith.constant 0 : i32
      %dma_wait3A_111 = arith.constant 0 : i32
      %dma_wait3A_112 = tpu.memref_slice %arg12[%dma_wait3A_110, %dma_wait3A_111] : memref<32x128xi32, #tpu.memory_space<vmem>> -> memref<1x128xi32, #tpu.memory_space<vmem>>
      %dma_wait3A_113 = tpu.memref_squeeze %dma_wait3A_112 : memref<1x128xi32, #tpu.memory_space<vmem>> -> memref<128xi32, #tpu.memory_space<vmem>>
      %dma_wait3A_114 = arith.constant 0 : i32
      %dma_wait3A_115 = arith.constant 0 : i32
      %dma_wait3A_116 = tpu.memref_slice %arg19[%dma_wait3A_114, %dma_wait3A_115] : memref<1024x128xf32, #tpu.memory_space<vmem_shared>> -> memref<1024x128xf32, #tpu.memory_space<vmem_shared>>
      tpu.wait_indirect_dma semaphore(%arg22 : memref<!tpu.dma_semaphore, #tpu.memory_space<semaphore_mem>>) src(%dma_wait3A_116 : memref<1024x128xf32, #tpu.memory_space<vmem_shared>>) dst(%arg15 : memref<128x128xf32, #tpu.memory_space<vmem>>)
      %rem3A_117 = arith.constant 16 : i32
      %rem3A_118 = arith.remsi %add3A_102, %rem3A_117 : i32
      %eq3A = arith.constant 8 : i32
      %eq3A_119 = arith.cmpi eq, %rem3A_118, %eq3A : i32
      %lt3A = arith.constant 112 : i32
      %lt3A_120 = arith.cmpi slt, %add3A_102, %lt3A : i32
      %and3A_121 = arith.andi %eq3A_119, %lt3A_120 : i1
      %convert_element_type3A = arith.extui %and3A_121 : i1 to i32
      %cond3A = arith.constant 0 : i32
      %cond3A_122 = arith.cmpi ne, %convert_element_type3A, %cond3A : i32
      scf.if %cond3A_122 {
        %add3A_194 = arith.constant 8 : i32
        %add3A_195 = arith.addi %add3A_102, %add3A_194 : i32
        %mul3A_196 = arith.constant 128 : i32
        %mul3A_197 = arith.muli %add3A_195, %mul3A_196 : i32
        %add3A_198 = arith.addi %mul3A_2, %mul3A_197 : i32
        %jit3A_199 = arith.constant 128 : i32
        %div3A_200 = arith.divsi %add3A_198, %jit3A_199 : i32
        %sign3A_201 = arith.constant 0 : i32
        %sign3A_202 = arith.cmpi sgt, %add3A_198, %sign3A_201 : i32
        %sign3A_203 = arith.extui %sign3A_202 : i1 to i32
        %sign3A_204 = arith.constant 0 : i32
        %sign3A_205 = arith.cmpi slt, %add3A_198, %sign3A_204 : i32
        %sign3A_206 = arith.extui %sign3A_205 : i1 to i32
        %sign3A_207 = arith.subi %sign3A_203, %sign3A_206 : i32
        %sign3A_208 = arith.constant 0 : i32
        %sign3A_209 = arith.cmpi sgt, %jit3A_199, %sign3A_208 : i32
        %sign3A_210 = arith.extui %sign3A_209 : i1 to i32
        %sign3A_211 = arith.constant 0 : i32
        %sign3A_212 = arith.cmpi slt, %jit3A_199, %sign3A_211 : i32
        %sign3A_213 = arith.extui %sign3A_212 : i1 to i32
        %sign3A_214 = arith.subi %sign3A_210, %sign3A_213 : i32
        %ne3A_215 = arith.cmpi ne, %sign3A_207, %sign3A_214 : i32
        %rem3A_216 = arith.remsi %add3A_198, %jit3A_199 : i32
        %ne3A_217 = arith.constant 0 : i32
        %ne3A_218 = arith.cmpi ne, %rem3A_216, %ne3A_217 : i32
        %and3A_219 = arith.andi %ne3A_215, %ne3A_218 : i1
        %sub3A_220 = arith.constant 1 : i32
        %sub3A_221 = arith.subi %div3A_200, %sub3A_220 : i32
        %select_n3A_222 = arith.select %and3A_219, %sub3A_221, %div3A_200 : i32
        %multiple_of3A_223 = tpu.assume_multiple %select_n3A_222, 16 : i32
        %rem3A_224 = arith.constant 32 : i32
        %rem3A_225 = arith.remsi %add3A_195, %rem3A_224 : i32
        %multiple_of3A_226 = tpu.assume_multiple %rem3A_225, 16 : i32
        "tpu.region"() ({
          %run_scoped3A = tpu.sem_alloc : memref<!tpu.dma_semaphore, #tpu.memory_space<semaphore_mem>>
          %dma_start3A_233 = arith.constant 0 : i32
          %dma_start3A_234 = tpu.memref_slice %arg9[%multiple_of3A_226, %dma_start3A_233] : memref<32x128xi32, #tpu.memory_space<vmem>> -> memref<16x128xi32, #tpu.memory_space<vmem>>
          %dma_start3A_235 = arith.constant 0 : i32
          %dma_start3A_236 = tpu.memref_slice %arg2[%multiple_of3A_223, %dma_start3A_235] : memref<4096x128xi32, #tpu.memory_space<hbm>> -> memref<16x128xi32, #tpu.memory_space<hbm>>
          %dma_start3A_237 = arith.constant 0 : i32
          %dma_start3A_238 = tpu.memref_slice %arg9[%multiple_of3A_226, %dma_start3A_237] : memref<32x128xi32, #tpu.memory_space<vmem>> -> memref<16x128xi32, #tpu.memory_space<vmem>>
          %dma_start3A_239 = arith.constant 0 : i32
          %dma_start3A_240 = tpu.memref_slice %arg2[%multiple_of3A_223, %dma_start3A_239] : memref<4096x128xi32, #tpu.memory_space<hbm>> -> memref<16x128xi32, #tpu.memory_space<hbm>>
          tpu.enqueue_dma source(%dma_start3A_240 : memref<16x128xi32, #tpu.memory_space<hbm>>) target(%dma_start3A_238 : memref<16x128xi32, #tpu.memory_space<vmem>>) target_semaphore(%run_scoped3A : memref<!tpu.dma_semaphore, #tpu.memory_space<semaphore_mem>>)
          %dma_wait3A_241 = arith.constant 0 : i32
          %dma_wait3A_242 = tpu.memref_slice %arg9[%multiple_of3A_226, %dma_wait3A_241] : memref<32x128xi32, #tpu.memory_space<vmem>> -> memref<16x128xi32, #tpu.memory_space<vmem>>
          %dma_wait3A_243 = arith.constant 0 : i32
          %dma_wait3A_244 = tpu.memref_slice %arg2[%multiple_of3A_223, %dma_wait3A_243] : memref<4096x128xi32, #tpu.memory_space<hbm>> -> memref<16x128xi32, #tpu.memory_space<hbm>>
          %dma_wait3A_245 = arith.constant 0 : i32
          %dma_wait3A_246 = tpu.memref_slice %arg9[%multiple_of3A_226, %dma_wait3A_245] : memref<32x128xi32, #tpu.memory_space<vmem>> -> memref<16x128xi32, #tpu.memory_space<vmem>>
          %dma_wait3A_247 = arith.constant 0 : i32
          %dma_wait3A_248 = tpu.memref_slice %arg2[%multiple_of3A_223, %dma_wait3A_247] : memref<4096x128xi32, #tpu.memory_space<hbm>> -> memref<16x128xi32, #tpu.memory_space<hbm>>
          tpu.wait_dma2 semaphore(%run_scoped3A : memref<!tpu.dma_semaphore, #tpu.memory_space<semaphore_mem>>) src(%dma_wait3A_248 : memref<16x128xi32, #tpu.memory_space<hbm>>) dst(%dma_wait3A_246 : memref<16x128xi32, #tpu.memory_space<vmem>>)
          tpu.yield
        }) : () -> ()
        "tpu.region"() ({
          %run_scoped3A = tpu.sem_alloc : memref<!tpu.dma_semaphore, #tpu.memory_space<semaphore_mem>>
          %dma_start3A_233 = arith.constant 0 : i32
          %dma_start3A_234 = tpu.memref_slice %arg3[%multiple_of3A_223, %dma_start3A_233] : memref<4096x128xi32, #tpu.memory_space<hbm>> -> memref<16x128xi32, #tpu.memory_space<hbm>>
          %dma_start3A_235 = arith.constant 0 : i32
          %dma_start3A_236 = tpu.memref_slice %arg3[%multiple_of3A_223, %dma_start3A_235] : memref<4096x128xi32, #tpu.memory_space<hbm>> -> memref<16x128xi32, #tpu.memory_space<hbm>>
          tpu.enqueue_dma source(%dma_start3A_236 : memref<16x128xi32, #tpu.memory_space<hbm>>) target(%arg10 : memref<16x128xi32, #tpu.memory_space<vmem>>) target_semaphore(%run_scoped3A : memref<!tpu.dma_semaphore, #tpu.memory_space<semaphore_mem>>)
          %dma_wait3A_237 = arith.constant 0 : i32
          %dma_wait3A_238 = tpu.memref_slice %arg3[%multiple_of3A_223, %dma_wait3A_237] : memref<4096x128xi32, #tpu.memory_space<hbm>> -> memref<16x128xi32, #tpu.memory_space<hbm>>
          %dma_wait3A_239 = arith.constant 0 : i32
          %dma_wait3A_240 = tpu.memref_slice %arg3[%multiple_of3A_223, %dma_wait3A_239] : memref<4096x128xi32, #tpu.memory_space<hbm>> -> memref<16x128xi32, #tpu.memory_space<hbm>>
          tpu.wait_dma2 semaphore(%run_scoped3A : memref<!tpu.dma_semaphore, #tpu.memory_space<semaphore_mem>>) src(%dma_wait3A_240 : memref<16x128xi32, #tpu.memory_space<hbm>>) dst(%arg10 : memref<16x128xi32, #tpu.memory_space<vmem>>)
          tpu.yield
        }) : () -> ()
        "tpu.region"() ({
          %run_scoped3A = tpu.sem_alloc : memref<!tpu.dma_semaphore, #tpu.memory_space<semaphore_mem>>
          %dma_start3A_233 = arith.constant 0 : i32
          %dma_start3A_234 = tpu.memref_slice %arg4[%multiple_of3A_223, %dma_start3A_233] : memref<4096x128xi32, #tpu.memory_space<hbm>> -> memref<16x128xi32, #tpu.memory_space<hbm>>
          %dma_start3A_235 = arith.constant 0 : i32
          %dma_start3A_236 = tpu.memref_slice %arg4[%multiple_of3A_223, %dma_start3A_235] : memref<4096x128xi32, #tpu.memory_space<hbm>> -> memref<16x128xi32, #tpu.memory_space<hbm>>
          tpu.enqueue_dma source(%dma_start3A_236 : memref<16x128xi32, #tpu.memory_space<hbm>>) target(%arg11 : memref<16x128xi32, #tpu.memory_space<vmem>>) target_semaphore(%run_scoped3A : memref<!tpu.dma_semaphore, #tpu.memory_space<semaphore_mem>>)
          %dma_wait3A_237 = arith.constant 0 : i32
          %dma_wait3A_238 = tpu.memref_slice %arg4[%multiple_of3A_223, %dma_wait3A_237] : memref<4096x128xi32, #tpu.memory_space<hbm>> -> memref<16x128xi32, #tpu.memory_space<hbm>>
          %dma_wait3A_239 = arith.constant 0 : i32
          %dma_wait3A_240 = tpu.memref_slice %arg4[%multiple_of3A_223, %dma_wait3A_239] : memref<4096x128xi32, #tpu.memory_space<hbm>> -> memref<16x128xi32, #tpu.memory_space<hbm>>
          tpu.wait_dma2 semaphore(%run_scoped3A : memref<!tpu.dma_semaphore, #tpu.memory_space<semaphore_mem>>) src(%dma_wait3A_240 : memref<16x128xi32, #tpu.memory_space<hbm>>) dst(%arg11 : memref<16x128xi32, #tpu.memory_space<vmem>>)
          tpu.yield
        }) : () -> ()
        %scan3A_227 = arith.constant 0 : i32
        %scan3A_228 = arith.constant 0 : i32
        %scan3A_229 = arith.constant 16 : i32
        %scan3A_230 = arith.addi %scan3A_228, %scan3A_229 : i32
        %scan3A_231 = arith.constant 1 : i32
        scf.for %scan3A_233 = %scan3A_228 to %scan3A_230 step %scan3A_231  : i32 {
          %get3A = arith.index_cast %scan3A_233 : i32 to index
          %get3A_234 = arith.constant 0 : index
          %get3A_235 = tpu.vector_load %arg10[%get3A, %get3A_234] {strides = array<i32>} : memref<16x128xi32, #tpu.memory_space<vmem>>, vector<1x16xi32>,
          %get3A_236 = vector.shape_cast %get3A_235 : vector<1x16xi32> to vector<16xi32>
          %mul3A_237 = arith.constant 512 : i32
          %mul3A_238 = vector.broadcast %mul3A_237 : i32 to vector<16xi32>
          %mul3A_239 = arith.muli %get3A_236, %mul3A_238 : vector<16xi32>
          %get3A_240 = arith.index_cast %scan3A_233 : i32 to index
          %get3A_241 = arith.constant 0 : index
          %get3A_242 = tpu.vector_load %arg11[%get3A_240, %get3A_241] {strides = array<i32>} : memref<16x128xi32, #tpu.memory_space<vmem>>, vector<1x16xi32>,
          %get3A_243 = vector.shape_cast %get3A_242 : vector<1x16xi32> to vector<16xi32>
          %add3A_244 = arith.addi %mul3A_239, %get3A_243 : vector<16xi32>
          %add3A_245 = arith.addi %multiple_of3A_226, %scan3A_233 : i32
          %swap3A = arith.index_cast %add3A_245 : i32 to index
          %swap3A_246 = arith.constant 0 : index
          %swap3A_247 = tpu.vector_load %arg12[%swap3A, %swap3A_246] {strides = array<i32>} : memref<32x128xi32, #tpu.memory_space<vmem>>, vector<1x16xi32>,
          %swap3A_248 = vector.shape_cast %swap3A_247 : vector<1x16xi32> to vector<16xi32>
          %swap3A_249 = vector.shape_cast %add3A_244 : vector<16xi32> to vector<1x16xi32>
          tpu.vector_store %arg12[%swap3A, %swap3A_246], %swap3A_249 {strides = array<i32>} : memref<32x128xi32, #tpu.memory_space<vmem>>, vector<1x16xi32>,
          %get3A_250 = arith.index_cast %scan3A_233 : i32 to index
          %get3A_251 = arith.constant 16 : index
          %get3A_252 = tpu.vector_load %arg10[%get3A_250, %get3A_251] {strides = array<i32>} : memref<16x128xi32, #tpu.memory_space<vmem>>, vector<1x16xi32>,
          %get3A_253 = vector.shape_cast %get3A_252 : vector<1x16xi32> to vector<16xi32>
          %mul3A_254 = arith.constant 512 : i32
          %mul3A_255 = vector.broadcast %mul3A_254 : i32 to vector<16xi32>
          %mul3A_256 = arith.muli %get3A_253, %mul3A_255 : vector<16xi32>
          %get3A_257 = arith.index_cast %scan3A_233 : i32 to index
          %get3A_258 = arith.constant 16 : index
          %get3A_259 = tpu.vector_load %arg11[%get3A_257, %get3A_258] {strides = array<i32>} : memref<16x128xi32, #tpu.memory_space<vmem>>, vector<1x16xi32>,
          %get3A_260 = vector.shape_cast %get3A_259 : vector<1x16xi32> to vector<16xi32>
          %add3A_261 = arith.addi %mul3A_256, %get3A_260 : vector<16xi32>
          %add3A_262 = arith.addi %multiple_of3A_226, %scan3A_233 : i32
          %swap3A_263 = arith.index_cast %add3A_262 : i32 to index
          %swap3A_264 = arith.constant 16 : index
          %swap3A_265 = tpu.vector_load %arg12[%swap3A_263, %swap3A_264] {strides = array<i32>} : memref<32x128xi32, #tpu.memory_space<vmem>>, vector<1x16xi32>,
          %swap3A_266 = vector.shape_cast %swap3A_265 : vector<1x16xi32> to vector<16xi32>
          %swap3A_267 = vector.shape_cast %add3A_261 : vector<16xi32> to vector<1x16xi32>
          tpu.vector_store %arg12[%swap3A_263, %swap3A_264], %swap3A_267 {strides = array<i32>} : memref<32x128xi32, #tpu.memory_space<vmem>>, vector<1x16xi32>,
          %get3A_268 = arith.index_cast %scan3A_233 : i32 to index
          %get3A_269 = arith.constant 32 : index
          %get3A_270 = tpu.vector_load %arg10[%get3A_268, %get3A_269] {strides = array<i32>} : memref<16x128xi32, #tpu.memory_space<vmem>>, vector<1x16xi32>,
          %get3A_271 = vector.shape_cast %get3A_270 : vector<1x16xi32> to vector<16xi32>
          %mul3A_272 = arith.constant 512 : i32
          %mul3A_273 = vector.broadcast %mul3A_272 : i32 to vector<16xi32>
          %mul3A_274 = arith.muli %get3A_271, %mul3A_273 : vector<16xi32>
          %get3A_275 = arith.index_cast %scan3A_233 : i32 to index
          %get3A_276 = arith.constant 32 : index
          %get3A_277 = tpu.vector_load %arg11[%get3A_275, %get3A_276] {strides = array<i32>} : memref<16x128xi32, #tpu.memory_space<vmem>>, vector<1x16xi32>,
          %get3A_278 = vector.shape_cast %get3A_277 : vector<1x16xi32> to vector<16xi32>
          %add3A_279 = arith.addi %mul3A_274, %get3A_278 : vector<16xi32>
          %add3A_280 = arith.addi %multiple_of3A_226, %scan3A_233 : i32
          %swap3A_281 = arith.index_cast %add3A_280 : i32 to index
          %swap3A_282 = arith.constant 32 : index
          %swap3A_283 = tpu.vector_load %arg12[%swap3A_281, %swap3A_282] {strides = array<i32>} : memref<32x128xi32, #tpu.memory_space<vmem>>, vector<1x16xi32>,
          %swap3A_284 = vector.shape_cast %swap3A_283 : vector<1x16xi32> to vector<16xi32>
          %swap3A_285 = vector.shape_cast %add3A_279 : vector<16xi32> to vector<1x16xi32>
          tpu.vector_store %arg12[%swap3A_281, %swap3A_282], %swap3A_285 {strides = array<i32>} : memref<32x128xi32, #tpu.memory_space<vmem>>, vector<1x16xi32>,
          %get3A_286 = arith.index_cast %scan3A_233 : i32 to index
          %get3A_287 = arith.constant 48 : index
          %get3A_288 = tpu.vector_load %arg10[%get3A_286, %get3A_287] {strides = array<i32>} : memref<16x128xi32, #tpu.memory_space<vmem>>, vector<1x16xi32>,
          %get3A_289 = vector.shape_cast %get3A_288 : vector<1x16xi32> to vector<16xi32>
          %mul3A_290 = arith.constant 512 : i32
          %mul3A_291 = vector.broadcast %mul3A_290 : i32 to vector<16xi32>
          %mul3A_292 = arith.muli %get3A_289, %mul3A_291 : vector<16xi32>
          %get3A_293 = arith.index_cast %scan3A_233 : i32 to index
          %get3A_294 = arith.constant 48 : index
          %get3A_295 = tpu.vector_load %arg11[%get3A_293, %get3A_294] {strides = array<i32>} : memref<16x128xi32, #tpu.memory_space<vmem>>, vector<1x16xi32>,
          %get3A_296 = vector.shape_cast %get3A_295 : vector<1x16xi32> to vector<16xi32>
          %add3A_297 = arith.addi %mul3A_292, %get3A_296 : vector<16xi32>
          %add3A_298 = arith.addi %multiple_of3A_226, %scan3A_233 : i32
          %swap3A_299 = arith.index_cast %add3A_298 : i32 to index
          %swap3A_300 = arith.constant 48 : index
          %swap3A_301 = tpu.vector_load %arg12[%swap3A_299, %swap3A_300] {strides = array<i32>} : memref<32x128xi32, #tpu.memory_space<vmem>>, vector<1x16xi32>,
          %swap3A_302 = vector.shape_cast %swap3A_301 : vector<1x16xi32> to vector<16xi32>
          %swap3A_303 = vector.shape_cast %add3A_297 : vector<16xi32> to vector<1x16xi32>
          tpu.vector_store %arg12[%swap3A_299, %swap3A_300], %swap3A_303 {strides = array<i32>} : memref<32x128xi32, #tpu.memory_space<vmem>>, vector<1x16xi32>,
          %get3A_304 = arith.index_cast %scan3A_233 : i32 to index
          %get3A_305 = arith.constant 64 : index
          %get3A_306 = tpu.vector_load %arg10[%get3A_304, %get3A_305] {strides = array<i32>} : memref<16x128xi32, #tpu.memory_space<vmem>>, vector<1x16xi32>,
          %get3A_307 = vector.shape_cast %get3A_306 : vector<1x16xi32> to vector<16xi32>
          %mul3A_308 = arith.constant 512 : i32
          %mul3A_309 = vector.broadcast %mul3A_308 : i32 to vector<16xi32>
          %mul3A_310 = arith.muli %get3A_307, %mul3A_309 : vector<16xi32>
          %get3A_311 = arith.index_cast %scan3A_233 : i32 to index
          %get3A_312 = arith.constant 64 : index
          %get3A_313 = tpu.vector_load %arg11[%get3A_311, %get3A_312] {strides = array<i32>} : memref<16x128xi32, #tpu.memory_space<vmem>>, vector<1x16xi32>,
          %get3A_314 = vector.shape_cast %get3A_313 : vector<1x16xi32> to vector<16xi32>
          %add3A_315 = arith.addi %mul3A_310, %get3A_314 : vector<16xi32>
          %add3A_316 = arith.addi %multiple_of3A_226, %scan3A_233 : i32
          %swap3A_317 = arith.index_cast %add3A_316 : i32 to index
          %swap3A_318 = arith.constant 64 : index
          %swap3A_319 = tpu.vector_load %arg12[%swap3A_317, %swap3A_318] {strides = array<i32>} : memref<32x128xi32, #tpu.memory_space<vmem>>, vector<1x16xi32>,
          %swap3A_320 = vector.shape_cast %swap3A_319 : vector<1x16xi32> to vector<16xi32>
          %swap3A_321 = vector.shape_cast %add3A_315 : vector<16xi32> to vector<1x16xi32>
          tpu.vector_store %arg12[%swap3A_317, %swap3A_318], %swap3A_321 {strides = array<i32>} : memref<32x128xi32, #tpu.memory_space<vmem>>, vector<1x16xi32>,
          %get3A_322 = arith.index_cast %scan3A_233 : i32 to index
          %get3A_323 = arith.constant 80 : index
          %get3A_324 = tpu.vector_load %arg10[%get3A_322, %get3A_323] {strides = array<i32>} : memref<16x128xi32, #tpu.memory_space<vmem>>, vector<1x16xi32>,
          %get3A_325 = vector.shape_cast %get3A_324 : vector<1x16xi32> to vector<16xi32>
          %mul3A_326 = arith.constant 512 : i32
          %mul3A_327 = vector.broadcast %mul3A_326 : i32 to vector<16xi32>
          %mul3A_328 = arith.muli %get3A_325, %mul3A_327 : vector<16xi32>
          %get3A_329 = arith.index_cast %scan3A_233 : i32 to index
          %get3A_330 = arith.constant 80 : index
          %get3A_331 = tpu.vector_load %arg11[%get3A_329, %get3A_330] {strides = array<i32>} : memref<16x128xi32, #tpu.memory_space<vmem>>, vector<1x16xi32>,
          %get3A_332 = vector.shape_cast %get3A_331 : vector<1x16xi32> to vector<16xi32>
          %add3A_333 = arith.addi %mul3A_328, %get3A_332 : vector<16xi32>
          %add3A_334 = arith.addi %multiple_of3A_226, %scan3A_233 : i32
          %swap3A_335 = arith.index_cast %add3A_334 : i32 to index
          %swap3A_336 = arith.constant 80 : index
          %swap3A_337 = tpu.vector_load %arg12[%swap3A_335, %swap3A_336] {strides = array<i32>} : memref<32x128xi32, #tpu.memory_space<vmem>>, vector<1x16xi32>,
          %swap3A_338 = vector.shape_cast %swap3A_337 : vector<1x16xi32> to vector<16xi32>
          %swap3A_339 = vector.shape_cast %add3A_333 : vector<16xi32> to vector<1x16xi32>
          tpu.vector_store %arg12[%swap3A_335, %swap3A_336], %swap3A_339 {strides = array<i32>} : memref<32x128xi32, #tpu.memory_space<vmem>>, vector<1x16xi32>,
          %get3A_340 = arith.index_cast %scan3A_233 : i32 to index
          %get3A_341 = arith.constant 96 : index
          %get3A_342 = tpu.vector_load %arg10[%get3A_340, %get3A_341] {strides = array<i32>} : memref<16x128xi32, #tpu.memory_space<vmem>>, vector<1x16xi32>,
          %get3A_343 = vector.shape_cast %get3A_342 : vector<1x16xi32> to vector<16xi32>
          %mul3A_344 = arith.constant 512 : i32
          %mul3A_345 = vector.broadcast %mul3A_344 : i32 to vector<16xi32>
          %mul3A_346 = arith.muli %get3A_343, %mul3A_345 : vector<16xi32>
          %get3A_347 = arith.index_cast %scan3A_233 : i32 to index
          %get3A_348 = arith.constant 96 : index
          %get3A_349 = tpu.vector_load %arg11[%get3A_347, %get3A_348] {strides = array<i32>} : memref<16x128xi32, #tpu.memory_space<vmem>>, vector<1x16xi32>,
          %get3A_350 = vector.shape_cast %get3A_349 : vector<1x16xi32> to vector<16xi32>
          %add3A_351 = arith.addi %mul3A_346, %get3A_350 : vector<16xi32>
          %add3A_352 = arith.addi %multiple_of3A_226, %scan3A_233 : i32
          %swap3A_353 = arith.index_cast %add3A_352 : i32 to index
          %swap3A_354 = arith.constant 96 : index
          %swap3A_355 = tpu.vector_load %arg12[%swap3A_353, %swap3A_354] {strides = array<i32>} : memref<32x128xi32, #tpu.memory_space<vmem>>, vector<1x16xi32>,
          %swap3A_356 = vector.shape_cast %swap3A_355 : vector<1x16xi32> to vector<16xi32>
          %swap3A_357 = vector.shape_cast %add3A_351 : vector<16xi32> to vector<1x16xi32>
          tpu.vector_store %arg12[%swap3A_353, %swap3A_354], %swap3A_357 {strides = array<i32>} : memref<32x128xi32, #tpu.memory_space<vmem>>, vector<1x16xi32>,
          %get3A_358 = arith.index_cast %scan3A_233 : i32 to index
          %get3A_359 = arith.constant 112 : index
          %get3A_360 = tpu.vector_load %arg10[%get3A_358, %get3A_359] {strides = array<i32>} : memref<16x128xi32, #tpu.memory_space<vmem>>, vector<1x16xi32>,
          %get3A_361 = vector.shape_cast %get3A_360 : vector<1x16xi32> to vector<16xi32>
          %mul3A_362 = arith.constant 512 : i32
          %mul3A_363 = vector.broadcast %mul3A_362 : i32 to vector<16xi32>
          %mul3A_364 = arith.muli %get3A_361, %mul3A_363 : vector<16xi32>
          %get3A_365 = arith.index_cast %scan3A_233 : i32 to index
          %get3A_366 = arith.constant 112 : index
          %get3A_367 = tpu.vector_load %arg11[%get3A_365, %get3A_366] {strides = array<i32>} : memref<16x128xi32, #tpu.memory_space<vmem>>, vector<1x16xi32>,
          %get3A_368 = vector.shape_cast %get3A_367 : vector<1x16xi32> to vector<16xi32>
          %add3A_369 = arith.addi %mul3A_364, %get3A_368 : vector<16xi32>
          %add3A_370 = arith.addi %multiple_of3A_226, %scan3A_233 : i32
          %swap3A_371 = arith.index_cast %add3A_370 : i32 to index
          %swap3A_372 = arith.constant 112 : index
          %swap3A_373 = tpu.vector_load %arg12[%swap3A_371, %swap3A_372] {strides = array<i32>} : memref<32x128xi32, #tpu.memory_space<vmem>>, vector<1x16xi32>,
          %swap3A_374 = vector.shape_cast %swap3A_373 : vector<1x16xi32> to vector<16xi32>
          %swap3A_375 = vector.shape_cast %add3A_369 : vector<16xi32> to vector<1x16xi32>
          tpu.vector_store %arg12[%swap3A_371, %swap3A_372], %swap3A_375 {strides = array<i32>} : memref<32x128xi32, #tpu.memory_space<vmem>>, vector<1x16xi32>,
        }
        %scan3A_232 = arith.constant 16 : i32
      } else {
      }
      %ge3A = arith.constant 1 : i32
      %ge3A_123 = arith.cmpi sge, %add3A_102, %ge3A : i32
      %convert_element_type3A_124 = arith.extui %ge3A_123 : i1 to i32
      %cond3A_125 = arith.constant 0 : i32
      %cond3A_126 = arith.cmpi ne, %convert_element_type3A_124, %cond3A_125 : i32
      scf.if %cond3A_126 {
        %dma_wait3A_194 = arith.constant 0 : i32
        %dma_wait3A_195 = arith.constant 0 : i32
        %dma_wait3A_196 = tpu.memref_slice %arg8[%dma_wait3A_194, %dma_wait3A_195] : memref<524288x128xf32, #tpu.memory_space<hbm>> -> memref<128x128xf32, #tpu.memory_space<hbm>>
        %dma_wait3A_197 = arith.constant 0 : i32
        %dma_wait3A_198 = arith.constant 0 : i32
        %dma_wait3A_199 = tpu.memref_slice %arg8[%dma_wait3A_197, %dma_wait3A_198] : memref<524288x128xf32, #tpu.memory_space<hbm>> -> memref<128x128xf32, #tpu.memory_space<hbm>>
        tpu.wait_dma2 semaphore(%arg25 : memref<!tpu.dma_semaphore, #tpu.memory_space<semaphore_mem>>) src(%arg14 : memref<128x128xf32, #tpu.memory_space<vmem>>) dst(%dma_wait3A_199 : memref<128x128xf32, #tpu.memory_space<hbm>>)
      } else {
      }
      %add3A_127 = arith.constant 1 : i32
      %add3A_128 = arith.addi %add3A_102, %add3A_127 : i32
      %rem3A_129 = arith.constant 32 : i32
      %rem3A_130 = arith.remsi %add3A_128, %rem3A_129 : i32
      %dma_start3A_131 = arith.constant 0 : i32
      %dma_start3A_132 = tpu.memref_slice %arg9[%rem3A_130, %dma_start3A_131] : memref<32x128xi32, #tpu.memory_space<vmem>> -> memref<1x128xi32, #tpu.memory_space<vmem>>
      %dma_start3A_133 = tpu.memref_squeeze %dma_start3A_132 : memref<1x128xi32, #tpu.memory_space<vmem>> -> memref<128xi32, #tpu.memory_space<vmem>>
      %dma_start3A_134 = arith.constant 0 : i32
      %dma_start3A_135 = arith.constant 0 : i32
      %dma_start3A_136 = tpu.memref_slice %arg5[%dma_start3A_134, %dma_start3A_135] : memref<100000x128xf32, #tpu.memory_space<hbm>> -> memref<100000x128xf32, #tpu.memory_space<hbm>>
      tpu.enqueue_indirect_dma source(%dma_start3A_136 : memref<100000x128xf32, #tpu.memory_space<hbm>>) target(%arg14 : memref<128x128xf32, #tpu.memory_space<vmem>>) offsets(%dma_start3A_133 : memref<128xi32, #tpu.memory_space<vmem>>) semaphore(%arg21 : memref<!tpu.dma_semaphore, #tpu.memory_space<semaphore_mem>>)
      %dma_start3A_137 = arith.constant 0 : i32
      %dma_start3A_138 = tpu.memref_slice %arg12[%rem3A_130, %dma_start3A_137] : memref<32x128xi32, #tpu.memory_space<vmem>> -> memref<1x128xi32, #tpu.memory_space<vmem>>
      %dma_start3A_139 = tpu.memref_squeeze %dma_start3A_138 : memref<1x128xi32, #tpu.memory_space<vmem>> -> memref<128xi32, #tpu.memory_space<vmem>>
      %dma_start3A_140 = arith.constant 0 : i32
      %dma_start3A_141 = arith.constant 0 : i32
      %dma_start3A_142 = tpu.memref_slice %arg19[%dma_start3A_140, %dma_start3A_141] : memref<1024x128xf32, #tpu.memory_space<vmem_shared>> -> memref<1024x128xf32, #tpu.memory_space<vmem_shared>>
      tpu.enqueue_indirect_dma source(%dma_start3A_142 : memref<1024x128xf32, #tpu.memory_space<vmem_shared>>) target(%arg16 : memref<128x128xf32, #tpu.memory_space<vmem>>) offsets(%dma_start3A_139 : memref<128xi32, #tpu.memory_space<vmem>>) semaphore(%arg23 : memref<!tpu.dma_semaphore, #tpu.memory_space<semaphore_mem>>)
      %scan3A_143 = arith.constant 0 : i32
      %scan3A_144 = arith.constant 0 : i32
      %scan3A_145 = arith.constant 128 : i32
      %scan3A_146 = arith.addi %scan3A_144, %scan3A_145 : i32
      %scan3A_147 = arith.constant 1 : i32
      scf.for %scan3A_194 = %scan3A_144 to %scan3A_146 step %scan3A_147  : i32 {
        %get3A = arith.index_cast %scan3A_194 : i32 to index
        %get3A_195 = arith.constant 0 : index
        %get3A_196 = tpu.vector_load %arg15[%get3A, %get3A_195] {strides = array<i32>} : memref<128x128xf32, #tpu.memory_space<vmem>>, vector<1x16xf32>,
        %get3A_197 = vector.shape_cast %get3A_196 : vector<1x16xf32> to vector<16xf32>
        %swap3A = arith.index_cast %scan3A_194 : i32 to index
        %swap3A_198 = arith.constant 0 : index
        %swap3A_199 = tpu.vector_load %arg13[%swap3A, %swap3A_198] {strides = array<i32>} : memref<128x128xf32, #tpu.memory_space<vmem>>, vector<1x16xf32>,
        %swap3A_200 = vector.shape_cast %swap3A_199 : vector<1x16xf32> to vector<16xf32>
        %swap3A_201 = vector.shape_cast %get3A_197 : vector<16xf32> to vector<1x16xf32>
        tpu.vector_store %arg13[%swap3A, %swap3A_198], %swap3A_201 {add = true, strides = array<i32>} : memref<128x128xf32, #tpu.memory_space<vmem>>, vector<1x16xf32>,
        %get3A_202 = arith.index_cast %scan3A_194 : i32 to index
        %get3A_203 = arith.constant 16 : index
        %get3A_204 = tpu.vector_load %arg15[%get3A_202, %get3A_203] {strides = array<i32>} : memref<128x128xf32, #tpu.memory_space<vmem>>, vector<1x16xf32>,
        %get3A_205 = vector.shape_cast %get3A_204 : vector<1x16xf32> to vector<16xf32>
        %swap3A_206 = arith.index_cast %scan3A_194 : i32 to index
        %swap3A_207 = arith.constant 16 : index
        %swap3A_208 = tpu.vector_load %arg13[%swap3A_206, %swap3A_207] {strides = array<i32>} : memref<128x128xf32, #tpu.memory_space<vmem>>, vector<1x16xf32>,
        %swap3A_209 = vector.shape_cast %swap3A_208 : vector<1x16xf32> to vector<16xf32>
        %swap3A_210 = vector.shape_cast %get3A_205 : vector<16xf32> to vector<1x16xf32>
        tpu.vector_store %arg13[%swap3A_206, %swap3A_207], %swap3A_210 {add = true, strides = array<i32>} : memref<128x128xf32, #tpu.memory_space<vmem>>, vector<1x16xf32>,
        %get3A_211 = arith.index_cast %scan3A_194 : i32 to index
        %get3A_212 = arith.constant 32 : index
        %get3A_213 = tpu.vector_load %arg15[%get3A_211, %get3A_212] {strides = array<i32>} : memref<128x128xf32, #tpu.memory_space<vmem>>, vector<1x16xf32>,
        %get3A_214 = vector.shape_cast %get3A_213 : vector<1x16xf32> to vector<16xf32>
        %swap3A_215 = arith.index_cast %scan3A_194 : i32 to index
        %swap3A_216 = arith.constant 32 : index
        %swap3A_217 = tpu.vector_load %arg13[%swap3A_215, %swap3A_216] {strides = array<i32>} : memref<128x128xf32, #tpu.memory_space<vmem>>, vector<1x16xf32>,
        %swap3A_218 = vector.shape_cast %swap3A_217 : vector<1x16xf32> to vector<16xf32>
        %swap3A_219 = vector.shape_cast %get3A_214 : vector<16xf32> to vector<1x16xf32>
        tpu.vector_store %arg13[%swap3A_215, %swap3A_216], %swap3A_219 {add = true, strides = array<i32>} : memref<128x128xf32, #tpu.memory_space<vmem>>, vector<1x16xf32>,
        %get3A_220 = arith.index_cast %scan3A_194 : i32 to index
        %get3A_221 = arith.constant 48 : index
        %get3A_222 = tpu.vector_load %arg15[%get3A_220, %get3A_221] {strides = array<i32>} : memref<128x128xf32, #tpu.memory_space<vmem>>, vector<1x16xf32>,
        %get3A_223 = vector.shape_cast %get3A_222 : vector<1x16xf32> to vector<16xf32>
        %swap3A_224 = arith.index_cast %scan3A_194 : i32 to index
        %swap3A_225 = arith.constant 48 : index
        %swap3A_226 = tpu.vector_load %arg13[%swap3A_224, %swap3A_225] {strides = array<i32>} : memref<128x128xf32, #tpu.memory_space<vmem>>, vector<1x16xf32>,
        %swap3A_227 = vector.shape_cast %swap3A_226 : vector<1x16xf32> to vector<16xf32>
        %swap3A_228 = vector.shape_cast %get3A_223 : vector<16xf32> to vector<1x16xf32>
        tpu.vector_store %arg13[%swap3A_224, %swap3A_225], %swap3A_228 {add = true, strides = array<i32>} : memref<128x128xf32, #tpu.memory_space<vmem>>, vector<1x16xf32>,
        %get3A_229 = arith.index_cast %scan3A_194 : i32 to index
        %get3A_230 = arith.constant 64 : index
        %get3A_231 = tpu.vector_load %arg15[%get3A_229, %get3A_230] {strides = array<i32>} : memref<128x128xf32, #tpu.memory_space<vmem>>, vector<1x16xf32>,
        %get3A_232 = vector.shape_cast %get3A_231 : vector<1x16xf32> to vector<16xf32>
        %swap3A_233 = arith.index_cast %scan3A_194 : i32 to index
        %swap3A_234 = arith.constant 64 : index
        %swap3A_235 = tpu.vector_load %arg13[%swap3A_233, %swap3A_234] {strides = array<i32>} : memref<128x128xf32, #tpu.memory_space<vmem>>, vector<1x16xf32>,
        %swap3A_236 = vector.shape_cast %swap3A_235 : vector<1x16xf32> to vector<16xf32>
        %swap3A_237 = vector.shape_cast %get3A_232 : vector<16xf32> to vector<1x16xf32>
        tpu.vector_store %arg13[%swap3A_233, %swap3A_234], %swap3A_237 {add = true, strides = array<i32>} : memref<128x128xf32, #tpu.memory_space<vmem>>, vector<1x16xf32>,
        %get3A_238 = arith.index_cast %scan3A_194 : i32 to index
        %get3A_239 = arith.constant 80 : index
        %get3A_240 = tpu.vector_load %arg15[%get3A_238, %get3A_239] {strides = array<i32>} : memref<128x128xf32, #tpu.memory_space<vmem>>, vector<1x16xf32>,
        %get3A_241 = vector.shape_cast %get3A_240 : vector<1x16xf32> to vector<16xf32>
        %swap3A_242 = arith.index_cast %scan3A_194 : i32 to index
        %swap3A_243 = arith.constant 80 : index
        %swap3A_244 = tpu.vector_load %arg13[%swap3A_242, %swap3A_243] {strides = array<i32>} : memref<128x128xf32, #tpu.memory_space<vmem>>, vector<1x16xf32>,
        %swap3A_245 = vector.shape_cast %swap3A_244 : vector<1x16xf32> to vector<16xf32>
        %swap3A_246 = vector.shape_cast %get3A_241 : vector<16xf32> to vector<1x16xf32>
        tpu.vector_store %arg13[%swap3A_242, %swap3A_243], %swap3A_246 {add = true, strides = array<i32>} : memref<128x128xf32, #tpu.memory_space<vmem>>, vector<1x16xf32>,
        %get3A_247 = arith.index_cast %scan3A_194 : i32 to index
        %get3A_248 = arith.constant 96 : index
        %get3A_249 = tpu.vector_load %arg15[%get3A_247, %get3A_248] {strides = array<i32>} : memref<128x128xf32, #tpu.memory_space<vmem>>, vector<1x16xf32>,
        %get3A_250 = vector.shape_cast %get3A_249 : vector<1x16xf32> to vector<16xf32>
        %swap3A_251 = arith.index_cast %scan3A_194 : i32 to index
        %swap3A_252 = arith.constant 96 : index
        %swap3A_253 = tpu.vector_load %arg13[%swap3A_251, %swap3A_252] {strides = array<i32>} : memref<128x128xf32, #tpu.memory_space<vmem>>, vector<1x16xf32>,
        %swap3A_254 = vector.shape_cast %swap3A_253 : vector<1x16xf32> to vector<16xf32>
        %swap3A_255 = vector.shape_cast %get3A_250 : vector<16xf32> to vector<1x16xf32>
        tpu.vector_store %arg13[%swap3A_251, %swap3A_252], %swap3A_255 {add = true, strides = array<i32>} : memref<128x128xf32, #tpu.memory_space<vmem>>, vector<1x16xf32>,
        %get3A_256 = arith.index_cast %scan3A_194 : i32 to index
        %get3A_257 = arith.constant 112 : index
        %get3A_258 = tpu.vector_load %arg15[%get3A_256, %get3A_257] {strides = array<i32>} : memref<128x128xf32, #tpu.memory_space<vmem>>, vector<1x16xf32>,
        %get3A_259 = vector.shape_cast %get3A_258 : vector<1x16xf32> to vector<16xf32>
        %swap3A_260 = arith.index_cast %scan3A_194 : i32 to index
        %swap3A_261 = arith.constant 112 : index
        %swap3A_262 = tpu.vector_load %arg13[%swap3A_260, %swap3A_261] {strides = array<i32>} : memref<128x128xf32, #tpu.memory_space<vmem>>, vector<1x16xf32>,
        %swap3A_263 = vector.shape_cast %swap3A_262 : vector<1x16xf32> to vector<16xf32>
        %swap3A_264 = vector.shape_cast %get3A_259 : vector<16xf32> to vector<1x16xf32>
        tpu.vector_store %arg13[%swap3A_260, %swap3A_261], %swap3A_264 {add = true, strides = array<i32>} : memref<128x128xf32, #tpu.memory_space<vmem>>, vector<1x16xf32>,
      }
      %scan3A_148 = arith.constant 128 : i32
      %mul3A_149 = arith.constant 128 : i32
      %mul3A_150 = arith.muli %add3A_102, %mul3A_149 : i32
      %add3A_151 = arith.addi %mul3A_2, %mul3A_150 : i32
      %multiple_of3A_152 = tpu.assume_multiple %add3A_151, 128 : i32
      %dma_start3A_153 = arith.constant 0 : i32
      %dma_start3A_154 = tpu.memref_slice %arg8[%multiple_of3A_152, %dma_start3A_153] : memref<524288x128xf32, #tpu.memory_space<hbm>> -> memref<128x128xf32, #tpu.memory_space<hbm>>
      %dma_start3A_155 = arith.constant 0 : i32
      %dma_start3A_156 = tpu.memref_slice %arg8[%multiple_of3A_152, %dma_start3A_155] : memref<524288x128xf32, #tpu.memory_space<hbm>> -> memref<128x128xf32, #tpu.memory_space<hbm>>
      tpu.enqueue_dma source(%arg13 : memref<128x128xf32, #tpu.memory_space<vmem>>) target(%dma_start3A_156 : memref<128x128xf32, #tpu.memory_space<hbm>>) target_semaphore(%arg24 : memref<!tpu.dma_semaphore, #tpu.memory_space<semaphore_mem>>)
      %mul3A_157 = arith.constant 2 : i32
      %mul3A_158 = arith.muli %scan3A_98, %mul3A_157 : i32
      %add3A_159 = arith.constant 1 : i32
      %add3A_160 = arith.addi %mul3A_158, %add3A_159 : i32
      %dma_wait3A_161 = arith.constant 0 : i32
      %dma_wait3A_162 = arith.constant 0 : i32
      %dma_wait3A_163 = tpu.memref_slice %arg9[%dma_wait3A_161, %dma_wait3A_162] : memref<32x128xi32, #tpu.memory_space<vmem>> -> memref<1x128xi32, #tpu.memory_space<vmem>>
      %dma_wait3A_164 = tpu.memref_squeeze %dma_wait3A_163 : memref<1x128xi32, #tpu.memory_space<vmem>> -> memref<128xi32, #tpu.memory_space<vmem>>
      %dma_wait3A_165 = arith.constant 0 : i32
      %dma_wait3A_166 = arith.constant 0 : i32
      %dma_wait3A_167 = tpu.memref_slice %arg5[%dma_wait3A_165, %dma_wait3A_166] : memref<100000x128xf32, #tpu.memory_space<hbm>> -> memref<100000x128xf32, #tpu.memory_space<hbm>>
      tpu.wait_indirect_dma semaphore(%arg21 : memref<!tpu.dma_semaphore, #tpu.memory_space<semaphore_mem>>) src(%dma_wait3A_167 : memref<100000x128xf32, #tpu.memory_space<hbm>>) dst(%arg14 : memref<128x128xf32, #tpu.memory_space<vmem>>)
      %dma_wait3A_168 = arith.constant 0 : i32
      %dma_wait3A_169 = arith.constant 0 : i32
      %dma_wait3A_170 = tpu.memref_slice %arg12[%dma_wait3A_168, %dma_wait3A_169] : memref<32x128xi32, #tpu.memory_space<vmem>> -> memref<1x128xi32, #tpu.memory_space<vmem>>
      %dma_wait3A_171 = tpu.memref_squeeze %dma_wait3A_170 : memref<1x128xi32, #tpu.memory_space<vmem>> -> memref<128xi32, #tpu.memory_space<vmem>>
      %dma_wait3A_172 = arith.constant 0 : i32
      %dma_wait3A_173 = arith.constant 0 : i32
      %dma_wait3A_174 = tpu.memref_slice %arg19[%dma_wait3A_172, %dma_wait3A_173] : memref<1024x128xf32, #tpu.memory_space<vmem_shared>> -> memref<1024x128xf32, #tpu.memory_space<vmem_shared>>
      tpu.wait_indirect_dma semaphore(%arg23 : memref<!tpu.dma_semaphore, #tpu.memory_space<semaphore_mem>>) src(%dma_wait3A_174 : memref<1024x128xf32, #tpu.memory_space<vmem_shared>>) dst(%arg16 : memref<128x128xf32, #tpu.memory_space<vmem>>)
      %lt3A_175 = arith.constant 127 : i32
      %lt3A_176 = arith.cmpi slt, %add3A_160, %lt3A_175 : i32
      %convert_element_type3A_177 = arith.extui %lt3A_176 : i1 to i32
      %cond3A_178 = arith.constant 0 : i32
      %cond3A_179 = arith.cmpi ne, %convert_element_type3A_177, %cond3A_178 : i32
      scf.if %cond3A_179 {
        %dma_wait3A_194 = arith.constant 0 : i32
        %dma_wait3A_195 = arith.constant 0 : i32
        %dma_wait3A_196 = tpu.memref_slice %arg8[%dma_wait3A_194, %dma_wait3A_195] : memref<524288x128xf32, #tpu.memory_space<hbm>> -> memref<128x128xf32, #tpu.memory_space<hbm>>
        %dma_wait3A_197 = arith.constant 0 : i32
        %dma_wait3A_198 = arith.constant 0 : i32
        %dma_wait3A_199 = tpu.memref_slice %arg8[%dma_wait3A_197, %dma_wait3A_198] : memref<524288x128xf32, #tpu.memory_space<hbm>> -> memref<128x128xf32, #tpu.memory_space<hbm>>
        tpu.wait_dma2 semaphore(%arg24 : memref<!tpu.dma_semaphore, #tpu.memory_space<semaphore_mem>>) src(%arg13 : memref<128x128xf32, #tpu.memory_space<vmem>>) dst(%dma_wait3A_199 : memref<128x128xf32, #tpu.memory_space<hbm>>)
        %add3A_200 = arith.constant 1 : i32
        %add3A_201 = arith.addi %add3A_160, %add3A_200 : i32
        %rem3A_202 = arith.constant 32 : i32
        %rem3A_203 = arith.remsi %add3A_201, %rem3A_202 : i32
        %dma_start3A_204 = arith.constant 0 : i32
        %dma_start3A_205 = tpu.memref_slice %arg9[%rem3A_203, %dma_start3A_204] : memref<32x128xi32, #tpu.memory_space<vmem>> -> memref<1x128xi32, #tpu.memory_space<vmem>>
        %dma_start3A_206 = tpu.memref_squeeze %dma_start3A_205 : memref<1x128xi32, #tpu.memory_space<vmem>> -> memref<128xi32, #tpu.memory_space<vmem>>
        %dma_start3A_207 = arith.constant 0 : i32
        %dma_start3A_208 = arith.constant 0 : i32
        %dma_start3A_209 = tpu.memref_slice %arg5[%dma_start3A_207, %dma_start3A_208] : memref<100000x128xf32, #tpu.memory_space<hbm>> -> memref<100000x128xf32, #tpu.memory_space<hbm>>
        tpu.enqueue_indirect_dma source(%dma_start3A_209 : memref<100000x128xf32, #tpu.memory_space<hbm>>) target(%arg13 : memref<128x128xf32, #tpu.memory_space<vmem>>) offsets(%dma_start3A_206 : memref<128xi32, #tpu.memory_space<vmem>>) semaphore(%arg20 : memref<!tpu.dma_semaphore, #tpu.memory_space<semaphore_mem>>)
        %dma_start3A_210 = arith.constant 0 : i32
        %dma_start3A_211 = tpu.memref_slice %arg12[%rem3A_203, %dma_start3A_210] : memref<32x128xi32, #tpu.memory_space<vmem>> -> memref<1x128xi32, #tpu.memory_space<vmem>>
        %dma_start3A_212 = tpu.memref_squeeze %dma_start3A_211 : memref<1x128xi32, #tpu.memory_space<vmem>> -> memref<128xi32, #tpu.memory_space<vmem>>
        %dma_start3A_213 = arith.constant 0 : i32
        %dma_start3A_214 = arith.constant 0 : i32
        %dma_start3A_215 = tpu.memref_slice %arg19[%dma_start3A_213, %dma_start3A_214] : memref<1024x128xf32, #tpu.memory_space<vmem_shared>> -> memref<1024x128xf32, #tpu.memory_space<vmem_shared>>
        tpu.enqueue_indirect_dma source(%dma_start3A_215 : memref<1024x128xf32, #tpu.memory_space<vmem_shared>>) target(%arg15 : memref<128x128xf32, #tpu.memory_space<vmem>>) offsets(%dma_start3A_212 : memref<128xi32, #tpu.memory_space<vmem>>) semaphore(%arg22 : memref<!tpu.dma_semaphore, #tpu.memory_space<semaphore_mem>>)
      } else {
      }
      %scan3A_180 = arith.constant 0 : i32
      %scan3A_181 = arith.constant 0 : i32
      %scan3A_182 = arith.constant 128 : i32
      %scan3A_183 = arith.addi %scan3A_181, %scan3A_182 : i32
      %scan3A_184 = arith.constant 1 : i32
      scf.for %scan3A_194 = %scan3A_181 to %scan3A_183 step %scan3A_184  : i32 {
        %get3A = arith.index_cast %scan3A_194 : i32 to index
        %get3A_195 = arith.constant 0 : index
        %get3A_196 = tpu.vector_load %arg16[%get3A, %get3A_195] {strides = array<i32>} : memref<128x128xf32, #tpu.memory_space<vmem>>, vector<1x16xf32>,
        %get3A_197 = vector.shape_cast %get3A_196 : vector<1x16xf32> to vector<16xf32>
        %swap3A = arith.index_cast %scan3A_194 : i32 to index
        %swap3A_198 = arith.constant 0 : index
        %swap3A_199 = tpu.vector_load %arg14[%swap3A, %swap3A_198] {strides = array<i32>} : memref<128x128xf32, #tpu.memory_space<vmem>>, vector<1x16xf32>,
        %swap3A_200 = vector.shape_cast %swap3A_199 : vector<1x16xf32> to vector<16xf32>
        %swap3A_201 = vector.shape_cast %get3A_197 : vector<16xf32> to vector<1x16xf32>
        tpu.vector_store %arg14[%swap3A, %swap3A_198], %swap3A_201 {add = true, strides = array<i32>} : memref<128x128xf32, #tpu.memory_space<vmem>>, vector<1x16xf32>,
        %get3A_202 = arith.index_cast %scan3A_194 : i32 to index
        %get3A_203 = arith.constant 16 : index
        %get3A_204 = tpu.vector_load %arg16[%get3A_202, %get3A_203] {strides = array<i32>} : memref<128x128xf32, #tpu.memory_space<vmem>>, vector<1x16xf32>,
        %get3A_205 = vector.shape_cast %get3A_204 : vector<1x16xf32> to vector<16xf32>
        %swap3A_206 = arith.index_cast %scan3A_194 : i32 to index
        %swap3A_207 = arith.constant 16 : index
        %swap3A_208 = tpu.vector_load %arg14[%swap3A_206, %swap3A_207] {strides = array<i32>} : memref<128x128xf32, #tpu.memory_space<vmem>>, vector<1x16xf32>,
        %swap3A_209 = vector.shape_cast %swap3A_208 : vector<1x16xf32> to vector<16xf32>
        %swap3A_210 = vector.shape_cast %get3A_205 : vector<16xf32> to vector<1x16xf32>
        tpu.vector_store %arg14[%swap3A_206, %swap3A_207], %swap3A_210 {add = true, strides = array<i32>} : memref<128x128xf32, #tpu.memory_space<vmem>>, vector<1x16xf32>,
        %get3A_211 = arith.index_cast %scan3A_194 : i32 to index
        %get3A_212 = arith.constant 32 : index
        %get3A_213 = tpu.vector_load %arg16[%get3A_211, %get3A_212] {strides = array<i32>} : memref<128x128xf32, #tpu.memory_space<vmem>>, vector<1x16xf32>,
        %get3A_214 = vector.shape_cast %get3A_213 : vector<1x16xf32> to vector<16xf32>
        %swap3A_215 = arith.index_cast %scan3A_194 : i32 to index
        %swap3A_216 = arith.constant 32 : index
        %swap3A_217 = tpu.vector_load %arg14[%swap3A_215, %swap3A_216] {strides = array<i32>} : memref<128x128xf32, #tpu.memory_space<vmem>>, vector<1x16xf32>,
        %swap3A_218 = vector.shape_cast %swap3A_217 : vector<1x16xf32> to vector<16xf32>
        %swap3A_219 = vector.shape_cast %get3A_214 : vector<16xf32> to vector<1x16xf32>
        tpu.vector_store %arg14[%swap3A_215, %swap3A_216], %swap3A_219 {add = true, strides = array<i32>} : memref<128x128xf32, #tpu.memory_space<vmem>>, vector<1x16xf32>,
        %get3A_220 = arith.index_cast %scan3A_194 : i32 to index
        %get3A_221 = arith.constant 48 : index
        %get3A_222 = tpu.vector_load %arg16[%get3A_220, %get3A_221] {strides = array<i32>} : memref<128x128xf32, #tpu.memory_space<vmem>>, vector<1x16xf32>,
        %get3A_223 = vector.shape_cast %get3A_222 : vector<1x16xf32> to vector<16xf32>
        %swap3A_224 = arith.index_cast %scan3A_194 : i32 to index
        %swap3A_225 = arith.constant 48 : index
        %swap3A_226 = tpu.vector_load %arg14[%swap3A_224, %swap3A_225] {strides = array<i32>} : memref<128x128xf32, #tpu.memory_space<vmem>>, vector<1x16xf32>,
        %swap3A_227 = vector.shape_cast %swap3A_226 : vector<1x16xf32> to vector<16xf32>
        %swap3A_228 = vector.shape_cast %get3A_223 : vector<16xf32> to vector<1x16xf32>
        tpu.vector_store %arg14[%swap3A_224, %swap3A_225], %swap3A_228 {add = true, strides = array<i32>} : memref<128x128xf32, #tpu.memory_space<vmem>>, vector<1x16xf32>,
        %get3A_229 = arith.index_cast %scan3A_194 : i32 to index
        %get3A_230 = arith.constant 64 : index
        %get3A_231 = tpu.vector_load %arg16[%get3A_229, %get3A_230] {strides = array<i32>} : memref<128x128xf32, #tpu.memory_space<vmem>>, vector<1x16xf32>,
        %get3A_232 = vector.shape_cast %get3A_231 : vector<1x16xf32> to vector<16xf32>
        %swap3A_233 = arith.index_cast %scan3A_194 : i32 to index
        %swap3A_234 = arith.constant 64 : index
        %swap3A_235 = tpu.vector_load %arg14[%swap3A_233, %swap3A_234] {strides = array<i32>} : memref<128x128xf32, #tpu.memory_space<vmem>>, vector<1x16xf32>,
        %swap3A_236 = vector.shape_cast %swap3A_235 : vector<1x16xf32> to vector<16xf32>
        %swap3A_237 = vector.shape_cast %get3A_232 : vector<16xf32> to vector<1x16xf32>
        tpu.vector_store %arg14[%swap3A_233, %swap3A_234], %swap3A_237 {add = true, strides = array<i32>} : memref<128x128xf32, #tpu.memory_space<vmem>>, vector<1x16xf32>,
        %get3A_238 = arith.index_cast %scan3A_194 : i32 to index
        %get3A_239 = arith.constant 80 : index
        %get3A_240 = tpu.vector_load %arg16[%get3A_238, %get3A_239] {strides = array<i32>} : memref<128x128xf32, #tpu.memory_space<vmem>>, vector<1x16xf32>,
        %get3A_241 = vector.shape_cast %get3A_240 : vector<1x16xf32> to vector<16xf32>
        %swap3A_242 = arith.index_cast %scan3A_194 : i32 to index
        %swap3A_243 = arith.constant 80 : index
        %swap3A_244 = tpu.vector_load %arg14[%swap3A_242, %swap3A_243] {strides = array<i32>} : memref<128x128xf32, #tpu.memory_space<vmem>>, vector<1x16xf32>,
        %swap3A_245 = vector.shape_cast %swap3A_244 : vector<1x16xf32> to vector<16xf32>
        %swap3A_246 = vector.shape_cast %get3A_241 : vector<16xf32> to vector<1x16xf32>
        tpu.vector_store %arg14[%swap3A_242, %swap3A_243], %swap3A_246 {add = true, strides = array<i32>} : memref<128x128xf32, #tpu.memory_space<vmem>>, vector<1x16xf32>,
        %get3A_247 = arith.index_cast %scan3A_194 : i32 to index
        %get3A_248 = arith.constant 96 : index
        %get3A_249 = tpu.vector_load %arg16[%get3A_247, %get3A_248] {strides = array<i32>} : memref<128x128xf32, #tpu.memory_space<vmem>>, vector<1x16xf32>,
        %get3A_250 = vector.shape_cast %get3A_249 : vector<1x16xf32> to vector<16xf32>
        %swap3A_251 = arith.index_cast %scan3A_194 : i32 to index
        %swap3A_252 = arith.constant 96 : index
        %swap3A_253 = tpu.vector_load %arg14[%swap3A_251, %swap3A_252] {strides = array<i32>} : memref<128x128xf32, #tpu.memory_space<vmem>>, vector<1x16xf32>,
        %swap3A_254 = vector.shape_cast %swap3A_253 : vector<1x16xf32> to vector<16xf32>
        %swap3A_255 = vector.shape_cast %get3A_250 : vector<16xf32> to vector<1x16xf32>
        tpu.vector_store %arg14[%swap3A_251, %swap3A_252], %swap3A_255 {add = true, strides = array<i32>} : memref<128x128xf32, #tpu.memory_space<vmem>>, vector<1x16xf32>,
        %get3A_256 = arith.index_cast %scan3A_194 : i32 to index
        %get3A_257 = arith.constant 112 : index
        %get3A_258 = tpu.vector_load %arg16[%get3A_256, %get3A_257] {strides = array<i32>} : memref<128x128xf32, #tpu.memory_space<vmem>>, vector<1x16xf32>,
        %get3A_259 = vector.shape_cast %get3A_258 : vector<1x16xf32> to vector<16xf32>
        %swap3A_260 = arith.index_cast %scan3A_194 : i32 to index
        %swap3A_261 = arith.constant 112 : index
        %swap3A_262 = tpu.vector_load %arg14[%swap3A_260, %swap3A_261] {strides = array<i32>} : memref<128x128xf32, #tpu.memory_space<vmem>>, vector<1x16xf32>,
        %swap3A_263 = vector.shape_cast %swap3A_262 : vector<1x16xf32> to vector<16xf32>
        %swap3A_264 = vector.shape_cast %get3A_259 : vector<16xf32> to vector<1x16xf32>
        tpu.vector_store %arg14[%swap3A_260, %swap3A_261], %swap3A_264 {add = true, strides = array<i32>} : memref<128x128xf32, #tpu.memory_space<vmem>>, vector<1x16xf32>,
      }
      %scan3A_185 = arith.constant 128 : i32
      %mul3A_186 = arith.constant 128 : i32
      %mul3A_187 = arith.muli %add3A_160, %mul3A_186 : i32
      %add3A_188 = arith.addi %mul3A_2, %mul3A_187 : i32
      %multiple_of3A_189 = tpu.assume_multiple %add3A_188, 128 : i32
      %dma_start3A_190 = arith.constant 0 : i32
      %dma_start3A_191 = tpu.memref_slice %arg8[%multiple_of3A_189, %dma_start3A_190] : memref<524288x128xf32, #tpu.memory_space<hbm>> -> memref<128x128xf32, #tpu.memory_space<hbm>>
      %dma_start3A_192 = arith.constant 0 : i32
      %dma_start3A_193 = tpu.memref_slice %arg8[%multiple_of3A_189, %dma_start3A_192] : memref<524288x128xf32, #tpu.memory_space<hbm>> -> memref<128x128xf32, #tpu.memory_space<hbm>>
      tpu.enqueue_dma source(%arg14 : memref<128x128xf32, #tpu.memory_space<vmem>>) target(%dma_start3A_193 : memref<128x128xf32, #tpu.memory_space<hbm>>) target_semaphore(%arg25 : memref<!tpu.dma_semaphore, #tpu.memory_space<semaphore_mem>>)
    }
    %scan3A_86 = arith.constant 64 : i32
    %dma_wait3A = arith.constant 0 : i32
    %dma_wait3A_87 = arith.constant 0 : i32
    %dma_wait3A_88 = tpu.memref_slice %arg8[%dma_wait3A, %dma_wait3A_87] : memref<524288x128xf32, #tpu.memory_space<hbm>> -> memref<128x128xf32, #tpu.memory_space<hbm>>
    %dma_wait3A_89 = arith.constant 0 : i32
    %dma_wait3A_90 = arith.constant 0 : i32
    %dma_wait3A_91 = tpu.memref_slice %arg8[%dma_wait3A_89, %dma_wait3A_90] : memref<524288x128xf32, #tpu.memory_space<hbm>> -> memref<128x128xf32, #tpu.memory_space<hbm>>
    tpu.wait_dma2 semaphore(%arg24 : memref<!tpu.dma_semaphore, #tpu.memory_space<semaphore_mem>>) src(%arg13 : memref<128x128xf32, #tpu.memory_space<vmem>>) dst(%dma_wait3A_91 : memref<128x128xf32, #tpu.memory_space<hbm>>)
    %dma_wait3A_92 = arith.constant 0 : i32
    %dma_wait3A_93 = arith.constant 0 : i32
    %dma_wait3A_94 = tpu.memref_slice %arg8[%dma_wait3A_92, %dma_wait3A_93] : memref<524288x128xf32, #tpu.memory_space<hbm>> -> memref<128x128xf32, #tpu.memory_space<hbm>>
    %dma_wait3A_95 = arith.constant 0 : i32
    %dma_wait3A_96 = arith.constant 0 : i32
    %dma_wait3A_97 = tpu.memref_slice %arg8[%dma_wait3A_95, %dma_wait3A_96] : memref<524288x128xf32, #tpu.memory_space<hbm>> -> memref<128x128xf32, #tpu.memory_space<hbm>>
    tpu.wait_dma2 semaphore(%arg25 : memref<!tpu.dma_semaphore, #tpu.memory_space<semaphore_mem>>) src(%arg14 : memref<128x128xf32, #tpu.memory_space<vmem>>) dst(%dma_wait3A_97 : memref<128x128xf32, #tpu.memory_space<hbm>>)
    return
  }
}

</mosaic_0001>

<sc_bundles>
// kernel: kernel.3.cloned.1.call-start
scs
__scs_entry_jumppad:
0x0: {  	(pc) =	sbr.rel $0x88, $3  }
0x1: {  	(tag) =	ssettag $0x0;
	lr =	simm.s32 $0x1  }
0x2: {  	[smem:$0x3F9B] =	sst lr;
	_ =	strace $0xD0000000  }
0x3: {  	_ = 	snop  }
0x4: {  	_ = 	snop  }
0x5: {  	_ = 	snop  }
0x6: {  	_ = 	snop  }
0x7: {  	_ = 	snop  }
__scs_overlays_trampoline_lowered:
0x8: {  	[smem:$0x3FAA] =	sst s0  }
0x9: {  	[smem:$0x3FAB] =	sst s1  }
0xa: {  	[smem:$0x3FAC] =	sst s2  }
0xb: {  	[smem:$0x3FAD] =	sst s3  }
0xc: {  	[smem:$0x3FAE] =	sst s4  }
0xd: {  	[smem:$0x3FAF] =	sst s5  }
0xe: {  	[smem:$0x3FB0] =	sst s6  }
0xf: {  	[smem:$0x3FB1] =	sst s7  }
0x10: {  	[smem:$0x3FB2] =	sst s8  }
0x11: {  	[smem:$0x3FB3] =	sst s9;
	s0 =	simm.s32 @!p0 $0x0  }
0x12: {  	s1 =	sld [smem:$0x3F99];
	s0 =	simm.s32 @p0 $0x1  }
0x13: {  	[smem:$0x3FB4] =	sst s0;
	s0 =	simm.s32 @!p1 $0x0  }
0x14: {  	s2 =	sld [smem:$0x3F98];
	s0 =	simm.s32 @p1 $0x1  }
0x15: {  	[smem:$0x3FB5] =	sst s0;
	s0 =	simm.s32 @!p2 $0x0  }
0x16: {  	s3 =	sld [smem:$0x3FDB];
	s0 =	simm.s32 @p2 $0x1  }
0x17: {  	s4 =	simm.s32 $0x1BF5;
	[smem:$0x3FB7] =	sst s0  }
0x18: {  	s0 =	sld [smem:$0x3F9A];
	_ =	swait.ge [sflag:s4], $0x0  }
0x19: {  	s7 =	sld [smem:$0x3F9B]  }
0x1a: {  	s8 =	sadd.s32 $0xFFFFE003, lr  }
0x1b: {  	s9 =	sadd.s32 $0xFFFFFEF7, lr;
	s5 =	simm.s32 $0xFFFFFFFF;
	p2 =	slt.u32 s8, $0xFFFFF086  }
0x1c: {  	p1 =	slt.u32 s9, $0xF7A;
	s5 =	simm.s32 @!p2 $0x0  }
0x1d: {  	s5 =	simm.s32 @p1 $0x1;
	p0 =	seq.s32 s7, s2  }
0x1e: {  	s7 =	smul.u32 @!p0 $0xF7A, s2;
	p2 =	seq.s32 @!p0 s5, $0x0  }
0x1f: {  	s9 =	smul.u32 $0xF7A, s1;
	s8 =	simm.s32 @!p0 $0x1BF5;
	p2 =	por !p2, p0  }
0x20: {  	[sflag:s8] =	ssyncset.s32 @!p0 $0xFFFFF086;
	s6 =	sadd.s32 @!p0 s3, s7;
	s7 =	simm.s32 @!p0 $0x108  }
0x21: {  	s3 =	sadd.s32 s3, s9;
	s6 =	sadd.s32 @!p0 $0x88, s6;
	s7 =	simm.s32 @p2 $0x1082  }
0x22: {  	[simem:s7], [sflag:s8] =	dma.local @!p0 [hbm:s6], $0xF7A  }
0x23: {  	s9 =	sor.u32 $0xD0000000, s2;
	s6 =	simm.s32 $0x108;
	_ =	swait.ge @!p0 [sflag:s8], $0x0  }
0x24: {  	s3 =	sadd.s32 $0x88, s3;
	s6 =	simm.s32 @!p1 $0x1082;
	[sflag:s4] =	ssyncset.s32 $0xFFFFF086  }
0x25: {  	[simem:s6], [sflag:s4] =	dma.local [hbm:s3], $0xF7A  }
0x26: {  	[smem:$0x3F9B] =	sst s1;
	(tag) =	ssettag s2;
	_ =	strace s9  }
0x27: {  	s1 =	sld [smem:$0x3FAB]  }
0x28: {  	s2 =	sld [smem:$0x3FAC]  }
0x29: {  	s4 =	sld [smem:$0x3FAE]  }
0x2a: {  	p0 =	seq.s32 s5, $0x0;
	s5 =	sld [smem:$0x3FAF]  }
0x2b: {  	s6 =	sld [smem:$0x3FB0]  }
0x2c: {  	s7 =	sld [smem:$0x3FB1]  }
0x2d: {  	s3 =	simm.s32 $0x108;
	s8 =	sld [smem:$0x3FB2]  }
0x2e: {  	s3 =	simm.s32 @!p0 $0x1082;
	s9 =	sld [smem:$0x3FB3]  }
0x2f: {  	lr =	sadd.s32 s0, s3;
	s0 =	sld [smem:$0x3FAA]  }
0x30: {  	s3 =	sld [smem:$0x3FAD]  }
0x31: {  	[smem:$0x3FB6] =	sst s10  }
0x32: {  	s10 =	sld [smem:$0x3FB4];
	_ =	sdelay $0x3  }
0x33: {  	p0 =	seq.s32 s10, $0x1;
	s10 =	sld [smem:$0x3FB6];
	_ =	sdelay $0x3  }
0x34: {  	[smem:$0x3FB6] =	sst s10  }
0x35: {  	s10 =	sld [smem:$0x3FB5];
	_ =	sdelay $0x3  }
0x36: {  	p1 =	seq.s32 s10, $0x1;
	s10 =	sld [smem:$0x3FB6];
	_ =	sdelay $0x3  }
0x37: {  	[smem:$0x3FB6] =	sst s10  }
0x38: {  	s10 =	sld [smem:$0x3FB7]  }
0x39: {  	_ = 	snop;
	(pc) =	sbr.ind lr, $3  }
0x3a: {  	_ = 	snop  }
0x3b: {  	_ = 	snop  }
0x3c: {  	p2 =	seq.s32 s10, $0x1;
	s10 =	sld [smem:$0x3FB6]  }
0x3d: {  	_ =	shalt  }
0x3e: {  	_ =	shalt  }
0x3f: {  	_ =	shalt  }
0x40: {  	_ =	shalt  }
0x41: {  	_ =	shalt  }
0x42: {  	_ =	shalt  }
0x43: {  	_ =	shalt  }
0x44: {  	_ =	shalt  }
0x45: {  	_ =	shalt  }
0x46: {  	_ =	shalt  }
0x47: {  	_ =	shalt  }
0x48: {  	_ =	shalt  }
0x49: {  	_ =	shalt  }
0x4a: {  	_ =	shalt  }
0x4b: {  	_ =	shalt  }
0x4c: {  	_ =	shalt  }
0x4d: {  	_ =	shalt  }
0x4e: {  	_ =	shalt  }
0x4f: {  	_ =	shalt  }
0x50: {  	_ =	shalt  }
0x51: {  	_ =	shalt  }
0x52: {  	_ =	shalt  }
0x53: {  	_ =	shalt  }
0x54: {  	_ =	shalt  }
0x55: {  	_ =	shalt  }
0x56: {  	_ =	shalt  }
0x57: {  	_ =	shalt  }
0x58: {  	_ =	shalt  }
0x59: {  	_ =	shalt  }
0x5a: {  	_ =	shalt  }
0x5b: {  	_ =	shalt  }
0x5c: {  	_ =	shalt  }
0x5d: {  	_ =	shalt  }
0x5e: {  	_ =	shalt  }
0x5f: {  	_ =	shalt  }
0x60: {  	_ =	shalt  }
0x61: {  	_ =	shalt  }
0x62: {  	_ =	shalt  }
0x63: {  	_ =	shalt  }
0x64: {  	_ =	shalt  }
0x65: {  	_ =	shalt  }
0x66: {  	_ =	shalt  }
0x67: {  	_ =	shalt  }
0x68: {  	_ =	shalt  }
0x69: {  	_ =	shalt  }
0x6a: {  	_ =	shalt  }
0x6b: {  	_ =	shalt  }
0x6c: {  	_ =	shalt  }
0x6d: {  	_ =	shalt  }
0x6e: {  	_ =	shalt  }
0x6f: {  	_ =	shalt  }
0x70: {  	_ =	shalt  }
0x71: {  	_ =	shalt  }
0x72: {  	_ =	shalt  }
0x73: {  	_ =	shalt  }
0x74: {  	_ =	shalt  }
0x75: {  	_ =	shalt  }
0x76: {  	_ =	shalt  }
0x77: {  	_ =	shalt  }
0x78: {  	_ =	shalt  }
0x79: {  	_ =	shalt  }
0x7a: {  	_ =	shalt  }
0x7b: {  	_ =	shalt  }
0x7c: {  	_ =	shalt  }
0x7d: {  	_ =	shalt  }
0x7e: {  	_ =	shalt  }
0x7f: {  	_ =	shalt  }
0x80: {  	_ =	shalt  }
0x81: {  	_ =	shalt  }
0x82: {  	_ =	shalt  }
0x83: {  	_ =	shalt  }
0x84: {  	_ =	shalt  }
0x85: {  	_ =	shalt  }
0x86: {  	_ =	shalt  }
0x87: {  	_ =	shalt  }
.Lfunc_end0:
.L_simem_size_0:
called_computation_lowered:
.L_overlay_start_0:
0x88: {  	s2 =	sld [smem:$0x3FD9]  }
0x89: {  	s3 =	sld [smem:$0x3FFE];
	_ =	sdelay $0x1  }
0x8a: {  	s1 =	srdreg.scid  }
0x8b: {  	s0 =	sand.u32 $0x1, s1  }
0x8c: {  	s17 =	sshll.u32 s0, $0xA;
	s2 =	sadd.s32 s3, s2  }
0x8d: {  	s2 =	sadd.s32 s2, s17  }
0x8e: {  	[smem:$0x3FC2] =	sst s2  }
0x8f: {  	_ = 	snop  }
0x90: {  	s2 =	sld [smem:$0x3FC6]  }
0x91: {  	s18 =	sld [smem:$0x3FC5]  }
0x92: {  	s4 =	sld [smem:$0x3FC4]  }
0x93: {  	s5 =	sld [smem:$0x3FD0];
	(tm) =	ssettm $0x1  }
0x94: {  	s6 =	sld [smem:$0x3FFB];
	_ =	sdelay $0x3  }
0x95: {  	_ =	strace s6  }
0x96: {  	s6 =	sld [smem:$0x3FFC];
	_ =	sdelay $0x3  }
0x97: {  	_ =	strace s6  }
0x98: {  	s6 =	sld [smem:$0x3FFD];
	_ =	sdelay $0x3  }
0x99: {  	_ =	strace s6  }
0x9a: {  	_ =	strace $0x8FFFFFFF  }
0x9b: {  	s19 =	sld [smem:$0x3FDB];
	_ =	sdelay $0x1  }
0x9c: {  	s7 =	simm.s32 $_scs_section_size  }
0x9d: {  	s8 =	simm.s32 $_size__tile_overlayer_lowered;
	s9 =	simm.s32 $_tile_overlayer_lowered  }
0x9e: {  	s22 =	simm.s32 $0x1BFF;
	s21 =	sshll.u32 s9, $0x1;
	s6 =	sadd.s32 s7, s19  }
0x9f: {  	s10 =	simm.s32 $0x0;
	s20 =	sshll.u32 s8, $0x1;
	s8 =	sadd.s32 s21, s6  }
0xa0: {  	[timem:s10], [sflag:s22] =	dma.local [hbm:s8], s20  }
0xa1: {  	_ =	swait.ge [sflag:s22], s20  }
0xa2: {  	s7 =	ssub.s32 $0x0, s20;
	[sflag:s22] =	ssyncset.done $0x0  }
0xa3: {  	[sflag:s22] =	ssyncadd.s32 s7;
	_ =	sdelay $0x1  }
0xa4: {  	s23 =	simm.s32 $0x1B8B  }
0xa5: {  	_ =	swait.ge [sflag:s23], $0x1  }
0xa6: {  	[sflag:s23] =	ssyncset.done $0x0  }
0xa7: {  	s25 =	simm.s32 $0x1B8E;
	s24 =	sld [smem:$0x3FFE];
	[sflag:s23] =	ssyncadd.s32 $0xFFFFFFFF  }
0xa8: {  	s26 =	simm.s32 $execute0_lowered;
	[smem:$0x3FD2] =	sst s25  }
0xa9: {  	s8 =	sshll.u32 s26, $0x1;
	_ =	strace $0x80000046;
	[dreg:$0x1] =	wrdreg $0xFFFFFFFF  }
0xaa: {  	s28 =	simm.s32 $_size_execute0_lowered;
	s6 =	sadd.s32 s6, s8;
	[dreg:$0x0] =	wrdreg $0x0  }
0xab: {  	s8 =	sshll.u32 s28, $0x1;
	[dreg:$0x2] =	wrdreg s6  }
0xac: {  	[dreg:$0x3] =	wrdreg s8  }
0xad: {  	[dreg:$0x4] =	wrdreg $0xC0  }
0xae: {  	_ =	task [dreg:s10], $0x5FFFF  }
0xaf: {  	[dreg:$0x1] =	wrdreg $0xFFFFFFFF  }
0xb0: {  	[dreg:$0x0] =	wrdreg $0x60  }
0xb1: {  	[dreg:$0x2] =	wrdreg s24  }
0xb2: {  	[dreg:$0x3] =	wrdreg s2  }
0xb3: {  	[dreg:$0x4] =	wrdreg s18  }
0xb4: {  	[dreg:$0x5] =	wrdreg s4  }
0xb5: {  	[dreg:$0x6] =	wrdreg s5  }
0xb6: {  	[dreg:$0x7] =	wrdreg $0x151000  }
0xb7: {  	[dreg:$0x8] =	wrdreg $0x9  }
0xb8: {  	_ =	task.clear_ibuf [dreg:s10], $0x9FFFF;
	_ =	strace $0x90000046  }
0xb9: {  	s29 =	simm.s32 $0x9;
	_ =	strace $0x80000048  }
0xba: {  	_ =	swait.ge [sflag:s29], $0x1  }
0xbb: {  	[sflag:s29] =	ssyncadd.s32 $0xFFFFFFFF  }
0xbc: {  	_ =	strace $0x90000048  }
0xbd: {  	_ =	sfence  }
0xbe: {  	s30 =	sld [smem:$0x0];
	_ =	sdelay $0x2  }
0xbf: {  	s31 =	sshll.u32 s1, $0xD;
	s1 =	sshrl.u32 s1, $0x2  }
0xc0: {  	s3 =	sand.u32 $0x4000, s31;
	s1 =	sadd.s32 s1, s30  }
0xc1: {  	s0 =	sor.u32 s3, s0;
	s1 =	sshll.u32 s1, $0x11  }
0xc2: {  	s0 =	sor.u32 s1, s0  }
0xc3: {  	s0 =	sadd.s32 $0x8F2B, s0  }
0xc4: {  	[sflag:s0] =	ssyncadd.remote.s32 $0x1  }
0xc5: {  	_ =	sfence.sel $0xFFFF  }
0xc6: {  	[dreg:$0x0] =	wrdreg $0xFFFFFFFF;
	(pc) =	sbr.abs _section_cstart, $3  }
0xc7: {  	[dreg:$0x1] =	wrdreg $0xFFFFFFFF  }
0xc8: {  	_ =	task.clear_ibuf [dreg:s10], $0x2FFFF;
	_ =	strace $0x9FFFFFFF  }
0xc9: {  	(tm) =	ssettm $0x7FFFFFFF  }
tec
execute0_lowered:
.L_overlay_start_1:
0x0: {  	(tag) =	ssettag $0x1  }
0x1: {  	s0 =	rddreg [dreg:$0x0]  }
0x2: {  	s1 =	rddreg [dreg:$0x1]  }
0x3: {  	s2 =	rddreg [dreg:$0x3]  }
0x4: {  	s5 =	rddreg [dreg:$0x4]  }
0x5: {  	s3 =	rddreg [dreg:$0x5];
	s4 =	simm.s32 $0x0;
	s8 =	srdreg.scid  }
0x6: {  	s13 =	stileid.u32;
	s18 =	simm.s32 $0x7;
	s19 =	simm.s32 $0x1000  }
0x7: {  	s20 =	simm.s32 $0x1800;
	s28 =	simm.s32 $0x1;
	s29 =	simm.s32 $0x3  }
0x8: {  	s30 =	simm.s32 $0x6;
	s31 =	simm.s32 $0x7000;
	[smem:$0x7FF] =	sst s4  }
0x9: {  	s6 =	sadd.s32 $0x800, s0;
	s7 =	sadd.s32 $0x10800, s0;
	s8 =	sand.u32 $0x1, s8  }
0xa: {  	s11 =	sshll.u32 s13, $0xF;
	s12 =	sshll.u32 s13, $0xA;
	s24 =	sshll.u32 s13, $0x4  }
0xb: {  	s13 =	simm.s32 $0x13100;
	_ =	strace $0x80000047;
	s10 =	ssub.s32 $0x2, s8  }
0xc: {  	s9 =	sshll.u32 s8, $0xE;
	s8 =	sadd.s32 $0x20800, s0;
	s12 =	sand.u32 $0x1C00, s12  }
0xd: {  	s25 =	sshrl.u32 s11, $0x2;
	s21 =	sshrl.u32 s10, $0x1;
	s9 =	sor.u32 s9, s11  }
0xe: {  	s2 =	sadd.s32 s2, s12;
	s15 =	sadd.s32 s25, s3;
	s25 =	simm.s32 $0x0  }
0xf: {  	s0 =	ssub.s32 s10, s21;
	s22 =	sshrl.u32 s9, $0x3;
	[dreg:$0xa] =	wrdreg s2  }
0x10: {  	s26 =	sshll.u32 s9, $0x4;
	s2 =	simm.s32 $0x4;
	s14 =	sadd.s32 s6, s22  }
0x11: {  	s21 =	simm.s32 $0x5;
	s23 =	sadd.s32 s7, s22;
	[dreg:$0x7] =	wrdreg s14  }
0x12: {  	s10 =	sadd.s32 s8, s22;
	s16 =	sadd.s32 s5, s26;
	[dreg:$0x8] =	wrdreg s23  }
0x13: {  	s0 =	smax.u32 s0, $0x1;
	s5 =	simm.s32 $0x2;
	[dreg:$0x9] =	wrdreg s10  }
0x14: {  	s22 =	simm.s32 $0x0;
	s14 =	sand.u32 $0x80, s24;
	[dreg:$0xb] =	wrdreg s0  }
0x15: {  	s23 =	simm.s32 $0x80;
	s24 =	simm.s32 $0x3000;
	s0 =	simm.s32 $0xF000  }
.LBB2_1:
0x16: {  	s10 =	rddreg [dreg:$0x7]  }
0x17: {  	[tilespmem:s4], [sflag:$0x7] =	stream.linear.gather [hbm4b:s10+s4], $0x800, $0x38;
	[tilespmem:$0x17100] =	vst v63  }
0x18: {  	_ =	swait.ge [sflag:s18], $0x800  }
0x19: {  	[sflag:s18] =	ssyncset.done $0x0  }
0x1a: {  	s17 =	rddreg [dreg:$0x8];
	[sflag:s18] =	ssyncadd.s32 $0xFFFFF800  }
0x1b: {  	[tilespmem:s19], [sflag:$0x7] =	stream.linear.gather [hbm4b:s17+s4], $0x800, $0x38;
	[tilespmem:$0x17100] =	vst v63  }
0x1c: {  	_ =	swait.ge [sflag:s18], $0x800  }
0x1d: {  	[sflag:s18] =	ssyncset.done $0x0  }
0x1e: {  	s26 =	rddreg [dreg:$0x9];
	[sflag:s18] =	ssyncadd.s32 $0xFFFFF800  }
0x1f: {  	[tilespmem:s20], [sflag:$0x7] =	stream.linear.gather [hbm4b:s26+s4], $0x800, $0x38;
	[tilespmem:$0x17100] =	vst v63  }
0x20: {  	_ =	swait.ge [sflag:s18], $0x800  }
0x21: {  	[sflag:s18] =	ssyncset.done $0x0  }
0x22: {  	s10 =	simm.s32 $0x0;
	[sflag:s18] =	ssyncadd.s32 $0xFFFFF800  }
0x23: {  	v0 =	vld [tilespmem:s10+$0x1070]  }
0x24: {  	v1 =	vld [tilespmem:s10+$0x1870]  }
0x25: {  	v2 =	vld [tilespmem:s10+$0x1000]  }
0x26: {  	v3 =	vld [tilespmem:s10+$0x1010]  }
0x27: {  	v4 =	vld [tilespmem:s10+$0x1020]  }
0x28: {  	v6 =	vld [tilespmem:s10+$0x1030]  }
0x29: {  	v9 =	vld [tilespmem:s10+$0x1040]  }
0x2a: {  	v8 =	vld [tilespmem:s10+$0x1800]  }
0x2b: {  	v10 =	vld [tilespmem:s10+$0x1810];
	v0 =	vshll.u32 v0, $0x9  }
0x2c: {  	v0 =	vadd.s32 v1, v0;
	v1 =	vld [tilespmem:s10+$0x1050]  }
0x2d: {  	[tilespmem:s10+$0x2070] =	vst v0;
	v0 =	vld [tilespmem:s10+$0x1060]  }
0x2e: {  	v7 =	vld [tilespmem:s10+$0x1820]  }
0x2f: {  	v5 =	vld [tilespmem:s10+$0x1830]  }
0x30: {  	v11 =	vshll.u32 v2, $0x9;
	v2 =	vld [tilespmem:s10+$0x1840];
	v12 =	vshll.u32 v3, $0x9;
	v6 =	vshll.u32 v6, $0x9  }
0x31: {  	v3 =	vld [tilespmem:s10+$0x1850];
	v11 =	vadd.s32 v8, v11;
	v8 =	vshll.u32 v4, $0x9;
	v4 =	vshll.u32 v9, $0x9  }
0x32: {  	s11 =	simm.s32 $0x80;
	s12 =	simm.s32 $0x400;
	v10 =	vadd.s32 v10, v12;
	v9 =	vld [tilespmem:s10+$0x1860];
	[tilespmem:s10+$0x2000] =	vst v11;
	v1 =	vshll.u32 v1, $0x9;
	v0 =	vshll.u32 v0, $0x9  }
.LBB2_2:
0x33: {  	p0 =	sne.s32 s12, $0x1E00;
	v11 =	vld [tilespmem:s11+$0x1070];
	[tilespmem:s10+$0x2010] =	vst v10;
	v7 =	vadd.s32 v7, v8  }
0x34: {  	v8 =	vld [tilespmem:s11+$0x1870];
	[tilespmem:s10+$0x2020] =	vst v7;
	v5 =	vadd.s32 v5, v6  }
0x35: {  	v6 =	vld [tilespmem:s11+$0x1000];
	[tilespmem:s10+$0x2030] =	vst v5;
	v2 =	vadd.s32 v2, v4  }
0x36: {  	v4 =	vld [tilespmem:s11+$0x1010];
	[tilespmem:s10+$0x2040] =	vst v2;
	v1 =	vadd.s32 v3, v1  }
0x37: {  	v2 =	vld [tilespmem:s11+$0x1020];
	[tilespmem:s10+$0x2050] =	vst v1;
	v0 =	vadd.s32 v9, v0  }
0x38: {  	v1 =	vld [tilespmem:s11+$0x1030];
	v3 =	vshll.u32 v11, $0x9;
	[tilespmem:s10+$0x2060] =	vst v0;
	s10 =	smov.u32 s11  }
0x39: {  	v0 =	vld [tilespmem:s10+$0x1040];
	v3 =	vadd.s32 v8, v3  }
0x3a: {  	v9 =	vshll.u32 v6, $0x9;
	v10 =	vld [tilespmem:s10+$0x1050];
	[tilespmem:s10+$0x2070] =	vst v3  }
0x3b: {  	v11 =	vshll.u32 v4, $0x9;
	v3 =	vld [tilespmem:s10+$0x1060]  }
0x3c: {  	v12 =	vld [tilespmem:s10+$0x1800];
	v8 =	vshll.u32 v2, $0x9  }
0x3d: {  	v13 =	vld [tilespmem:s10+$0x1810];
	v6 =	vshll.u32 v1, $0x9  }
.Ltmp0:
0x3e: {  	v7 =	vld [tilespmem:s10+$0x1820];
	v4 =	vshll.u32 v0, $0x9;
	(pc) =	sbr.rel @p0 .LBB2_2-.Ltmp0, $4  }
0x3f: {  	v5 =	vld [tilespmem:s10+$0x1830];
	v1 =	vshll.u32 v10, $0x9  }
0x40: {  	v2 =	vld [tilespmem:s10+$0x1840];
	v0 =	vshll.u32 v3, $0x9  }
0x41: {  	v9 =	vadd.s32 v12, v9;
	v3 =	vld [tilespmem:s10+$0x1850]  }
0x42: {  	s11 =	sshra.s32 s12, $0x2;
	s12 =	sadd.s32 $0x200, s12;
	[tilespmem:s10+$0x2000] =	vst v9;
	v10 =	vadd.s32 v13, v11;
	v9 =	vld [tilespmem:s10+$0x1860]  }
0x43: {  	v11 =	vld [tilespmem:s11+$0x1070];
	[tilespmem:s10+$0x2010] =	vst v10;
	v7 =	vadd.s32 v7, v8  }
0x44: {  	v56 =	vld [tilespmem:s11+$0x1870];
	[tilespmem:s10+$0x2020] =	vst v7;
	v5 =	vadd.s32 v5, v6  }
0x45: {  	v57 =	vld [tilespmem:s11+$0x1000];
	[tilespmem:s10+$0x2030] =	vst v5;
	v2 =	vadd.s32 v2, v4  }
0x46: {  	v58 =	vld [tilespmem:s11+$0x1010];
	[tilespmem:s10+$0x2040] =	vst v2;
	v1 =	vadd.s32 v3, v1  }
0x47: {  	v2 =	vld [tilespmem:s11+$0x1020];
	[tilespmem:s10+$0x2050] =	vst v1;
	v0 =	vadd.s32 v9, v0  }
0x48: {  	v1 =	vld [tilespmem:s11+$0x1030];
	[tilespmem:s10+$0x2060] =	vst v0  }
0x49: {  	v3 =	vld [tilespmem:s11+$0x1040]  }
0x4a: {  	v5 =	vld [tilespmem:s11+$0x1050]  }
0x4b: {  	v7 =	vld [tilespmem:s11+$0x1800]  }
0x4c: {  	v59 =	vld [tilespmem:s11+$0x1810]  }
0x4d: {  	v60 =	vld [tilespmem:s11+$0x1820]  }
0x4e: {  	v10 =	vld [tilespmem:s11+$0x1830]  }
0x4f: {  	v0 =	vshll.u32 v11, $0x9;
	v61 =	vld [tilespmem:s11+$0x1840]  }
0x50: {  	v0 =	vadd.s32 v56, v0;
	v62 =	vld [tilespmem:s11+$0x1850];
	v6 =	vshll.u32 v57, $0x9  }
0x51: {  	[tilespmem:s11+$0x2070] =	vst v0;
	v0 =	vld [tilespmem:s11+$0x1060];
	v4 =	vshll.u32 v58, $0x9;
	v6 =	vadd.s32 v7, v6  }
0x52: {  	v63 =	vld [tilespmem:s11+$0x1860];
	v2 =	vshll.u32 v2, $0x9;
	v4 =	vadd.s32 v59, v4;
	[tilespmem:s11+$0x2000] =	vst v6  }
0x53: {  	v1 =	vshll.u32 v1, $0x9;
	v2 =	vadd.s32 v60, v2;
	[tilespmem:s11+$0x2010] =	vst v4  }
0x54: {  	v3 =	vshll.u32 v3, $0x9;
	v1 =	vadd.s32 v10, v1;
	[tilespmem:s11+$0x2020] =	vst v2  }
0x55: {  	v2 =	vshll.u32 v5, $0x9;
	[tilespmem:s11+$0x2030] =	vst v1;
	v1 =	vadd.s32 v61, v3  }
0x56: {  	v0 =	vshll.u32 v0, $0x9;
	[tilespmem:s11+$0x2040] =	vst v1;
	v1 =	vadd.s32 v62, v2  }
0x57: {  	v0 =	vadd.s32 v63, v0;
	[tilespmem:s11+$0x2050] =	vst v1  }
0x58: {  	s17 =	rddreg [dreg:$0x2];
	s12 =	simm.s32 $0x13000;
	s10 =	simm.s32 $0x0;
	[tilespmem:s11+$0x2060] =	vst v0  }
0x59: {  	[tilespmem:s12], [sflag:$0x7] =	stream.linear.gather [hbm4b:s17+s10], $0x100, $0x38;
	[tilespmem:$0x17100] =	vst v63  }
0x5a: {  	_ =	swait.ge [sflag:s18], $0x100  }
0x5b: {  	[sflag:s18] =	ssyncset.done $0x0  }
0x5c: {  	s26 =	rddreg [dreg:$0xa];
	[sflag:s18] =	ssyncadd.s32 $0xFFFFFF00  }
0x5d: {  	[tilespmem:s13], [sflag:$0x7] =	stream.linear.gather [hbm4b:s26+s10], $0x2000, $0x38;
	[tilespmem:$0x17100] =	vst v63  }
0x5e: {  	_ =	swait.ge [sflag:s18], $0x2000  }
0x5f: {  	[sflag:s18] =	ssyncset.done $0x0  }
0x60: {  	s10 =	simm.s32 $0x0;
	[sflag:s18] =	ssyncadd.s32 $0xFFFFE000  }
0x61: {  	s11 =	simm.s32 $0x200;
	v0 =	vld [tilespmem:s10+$0x13100]  }
.LBB2_4:
0x62: {  	p0 =	sne.s32 s11, $0x7E00;
	v1 =	vld [tilespmem:s14+$0x13000];
	_ =	sdelay $0x4  }
0x63: {  	v0 =	vadd.f32 v1, v0;
	_ =	sdelay $0x1  }
0x64: {  	[tilespmem:s10+$0x13100] =	vst v0;
	v0 =	vld [tilespmem:s10+$0x13110]  }
0x65: {  	v1 =	vld [tilespmem:s14+$0x13010];
	_ =	sdelay $0x4  }
0x66: {  	v0 =	vadd.f32 v1, v0;
	_ =	sdelay $0x1  }
0x67: {  	[tilespmem:s10+$0x13110] =	vst v0;
	v0 =	vld [tilespmem:s10+$0x13120]  }
0x68: {  	v1 =	vld [tilespmem:s14+$0x13020];
	_ =	sdelay $0x4  }
0x69: {  	v0 =	vadd.f32 v1, v0;
	_ =	sdelay $0x1  }
0x6a: {  	[tilespmem:s10+$0x13120] =	vst v0;
	v0 =	vld [tilespmem:s10+$0x13130]  }
0x6b: {  	v1 =	vld [tilespmem:s14+$0x13030];
	_ =	sdelay $0x4  }
0x6c: {  	v0 =	vadd.f32 v1, v0;
	_ =	sdelay $0x1  }
0x6d: {  	[tilespmem:s10+$0x13130] =	vst v0;
	v0 =	vld [tilespmem:s10+$0x13140]  }
0x6e: {  	v1 =	vld [tilespmem:s14+$0x13040];
	_ =	sdelay $0x4  }
0x6f: {  	v0 =	vadd.f32 v1, v0;
	_ =	sdelay $0x1  }
0x70: {  	[tilespmem:s10+$0x13140] =	vst v0;
	v0 =	vld [tilespmem:s10+$0x13150]  }
0x71: {  	v1 =	vld [tilespmem:s14+$0x13050];
	_ =	sdelay $0x4  }
0x72: {  	v0 =	vadd.f32 v1, v0;
	_ =	sdelay $0x1  }
0x73: {  	[tilespmem:s10+$0x13150] =	vst v0;
	v0 =	vld [tilespmem:s10+$0x13160]  }
0x74: {  	v1 =	vld [tilespmem:s14+$0x13060];
	_ =	sdelay $0x4  }
0x75: {  	v0 =	vadd.f32 v1, v0;
	_ =	sdelay $0x1  }
0x76: {  	[tilespmem:s10+$0x13160] =	vst v0;
	v0 =	vld [tilespmem:s10+$0x13170]  }
0x77: {  	v1 =	vld [tilespmem:s14+$0x13070];
	_ =	sdelay $0x2  }
.Ltmp1:
0x78: {  	(pc) =	sbr.rel @p0 .LBB2_4-.Ltmp1, $4  }
0x79: {  	_ = 	snop  }
0x7a: {  	v1 =	vadd.f32 v1, v0  }
0x7b: {  	s12 =	sshra.s32 s11, $0x2  }
0x7c: {  	s11 =	sadd.s32 $0x200, s11;
	v0 =	vld [tilespmem:s12+$0x13100];
	[tilespmem:s10+$0x13170] =	vst v1;
	s10 =	smov.u32 s12  }
0x7d: {  	v1 =	vld [tilespmem:s14+$0x13000];
	_ =	sdelay $0x4  }
0x7e: {  	v0 =	vadd.f32 v1, v0;
	_ =	sdelay $0x1  }
0x7f: {  	v50 =	vld [tilespmem:s10+$0x13110];
	[tilespmem:s10+$0x13100] =	vst v0  }
0x80: {  	v51 =	vld [tilespmem:s14+$0x13010];
	_ =	sdelay $0x4  }
0x81: {  	v0 =	vadd.f32 v51, v50;
	_ =	sdelay $0x1  }
0x82: {  	v52 =	vld [tilespmem:s10+$0x13120];
	[tilespmem:s10+$0x13110] =	vst v0  }
0x83: {  	v53 =	vld [tilespmem:s14+$0x13020];
	_ =	sdelay $0x4  }
0x84: {  	v0 =	vadd.f32 v53, v52;
	_ =	sdelay $0x1  }
0x85: {  	v54 =	vld [tilespmem:s10+$0x13130];
	[tilespmem:s10+$0x13120] =	vst v0  }
0x86: {  	v55 =	vld [tilespmem:s14+$0x13030];
	_ =	sdelay $0x4  }
0x87: {  	v0 =	vadd.f32 v55, v54;
	_ =	sdelay $0x1  }
0x88: {  	v56 =	vld [tilespmem:s10+$0x13140];
	[tilespmem:s10+$0x13130] =	vst v0  }
0x89: {  	v57 =	vld [tilespmem:s14+$0x13040];
	_ =	sdelay $0x4  }
0x8a: {  	v0 =	vadd.f32 v57, v56;
	_ =	sdelay $0x1  }
0x8b: {  	v58 =	vld [tilespmem:s10+$0x13150];
	[tilespmem:s10+$0x13140] =	vst v0  }
0x8c: {  	v59 =	vld [tilespmem:s14+$0x13050];
	_ =	sdelay $0x4  }
0x8d: {  	v0 =	vadd.f32 v59, v58;
	_ =	sdelay $0x1  }
0x8e: {  	v60 =	vld [tilespmem:s10+$0x13160];
	[tilespmem:s10+$0x13150] =	vst v0  }
0x8f: {  	v61 =	vld [tilespmem:s14+$0x13060];
	_ =	sdelay $0x4  }
0x90: {  	v0 =	vadd.f32 v61, v60;
	_ =	sdelay $0x1  }
0x91: {  	v62 =	vld [tilespmem:s10+$0x13170];
	[tilespmem:s10+$0x13160] =	vst v0  }
0x92: {  	v63 =	vld [tilespmem:s14+$0x13070];
	_ =	sdelay $0x4  }
0x93: {  	v0 =	vadd.f32 v63, v62;
	_ =	sdelay $0x1  }
0x94: {  	[tilespmem:s10+$0x13170] =	vst v0  }
0x95: {  	[spmem:s15] =	stream.linear.scatter [tilespmem:s13], [sflag:$0x7], $0x2000, $0x38;
	[tilespmem:$0x17100] =	vst v63  }
0x96: {  	_ =	swait.ge [sflag:s18], $0x2000  }
0x97: {  	[sflag:s18] =	ssyncset.done $0x0  }
0x98: {  	[sflag:s18] =	ssyncadd.s32 $0xFFFFE000  }
0x99: {  	[bflag:$0x0] =	sbarrier.arrive $0xFFFF  }
0x9a: {  	[spmem:s15] =	stream.linear.scatter [tilespmem:s13], [sflag:$0x7], $0x2000, $0x38;
	[tilespmem:$0x17100] =	vst v63  }
0x9b: {  	_ =	swait.ge [sflag:s18], $0x2000  }
0x9c: {  	[sflag:s18] =	ssyncset.done $0x0  }
0x9d: {  	[sflag:s18] =	ssyncadd.s32 $0xFFFFE000  }
0x9e: {  	s26 =	simm.s32 $0x0;
	[bflag:$0x0] =	sbarrier.arrive $0xFFFF  }
0x9f: {  	[tilespmem:s24], [sflag:$0x1] =	stream.indirect.gather [hbm4b:s1+s23], $0x80, s26, s23, $0xb8;
	[tilespmem:$0x17100] =	vst v63  }
0xa0: {  	s17 =	simm.s32 $0x2000;
	s11 =	simm.s32 $0xB000;
	s10 =	simm.s32 $0x8  }
0xa1: {  	[tilespmem:s11], [sflag:$0x3] =	stream.indirect.gather [spmem:s3], $0x80, s17, s23, $0xb8;
	[tilespmem:$0x17100] =	vst v63  }
.LBB2_6:
0xa2: {  	s11 =	sand.u32 $0x7, s26;
	p0 =	sgt.u32 s26, $0x37  }
0xa3: {  	p1 =	sne.s32 @!p0 s11, $0x4  }
0xa4: {  	_ =	swait.ge [sflag:s28], $0x4000;
	p0 =	por p0, p1  }
.Ltmp2:
0xa5: {  	[sflag:s28] =	ssyncset.done $0x0;
	(pc) =	sbr.rel @p0 .LBB2_10-.Ltmp2, $4  }
0xa6: {  	[sflag:s28] =	ssyncadd.s32 $0xFFFFC000  }
0xa7: {  	_ =	swait.ge [sflag:s29], $0x4000  }
0xa8: {  	[sflag:s29] =	ssyncset.done $0x0  }
0xa9: {  	s11 =	sshll.u32 s26, $0x1;
	[sflag:s29] =	ssyncadd.s32 $0xFFFFC000  }
0xaa: {  	s12 =	sadd.s32 $0x8, s11  }
0xab: {  	s13 =	sshll.u32 s12, $0x7  }
0xac: {  	s13 =	sadd.s32 s9, s13  }
0xad: {  	s12 =	sand.u32 $0x10, s12;
	s13 =	sshrl.u32 s13, $0x3  }
0xae: {  	s12 =	sshll.u32 s12, $0x7;
	s17 =	sadd.s32 s6, s13  }
0xaf: {  	[tilespmem:s12], [sflag:$0x7] =	stream.linear.gather [hbm4b:s17+s22], $0x800, $0x38;
	[tilespmem:$0x17100] =	vst v63  }
0xb0: {  	_ =	swait.ge [sflag:s18], $0x800  }
0xb1: {  	[sflag:s18] =	ssyncset.done $0x0  }
0xb2: {  	s17 =	sadd.s32 s7, s13;
	[sflag:s18] =	ssyncadd.s32 $0xFFFFF800  }
0xb3: {  	[tilespmem:s19], [sflag:$0x7] =	stream.linear.gather [hbm4b:s17+s22], $0x800, $0x38;
	[tilespmem:$0x17100] =	vst v63  }
0xb4: {  	_ =	swait.ge [sflag:s18], $0x800  }
0xb5: {  	[sflag:s18] =	ssyncset.done $0x0  }
0xb6: {  	s13 =	sadd.s32 s8, s13;
	[sflag:s18] =	ssyncadd.s32 $0xFFFFF800  }
0xb7: {  	[tilespmem:s20], [sflag:$0x7] =	stream.linear.gather [hbm4b:s13+s22], $0x800, $0x38;
	[tilespmem:$0x17100] =	vst v63  }
0xb8: {  	_ =	swait.ge [sflag:s18], $0x800  }
0xb9: {  	[sflag:s18] =	ssyncset.done $0x0  }
0xba: {  	s12 =	simm.s32 $0x0;
	s17 =	sshll.u32 s10, $0x7;
	[sflag:s18] =	ssyncadd.s32 $0xFFFFF800  }
0xbb: {  	s13 =	sand.u32 $0x800, s17;
	v1 =	vld [tilespmem:s12+$0x1000]  }
0xbc: {  	s13 =	sor.u32 $0x2000, s13;
	v2 =	vld [tilespmem:s12+$0x1800]  }
0xbd: {  	v0 =	vmov s13;
	_ =	sdelay $0x2  }
0xbe: {  	v1 =	vshll.u32 v1, $0x9  }
0xbf: {  	v1 =	vadd.s32 v2, v1  }
0xc0: {  	[tilespmem:v0+s12+$0x0 ss:$0x1] =	vst.idx.msk $0xffff, v1  }
0xc1: {  	v1 =	vld [tilespmem:s12+$0x1010]  }
0xc2: {  	v2 =	vld [tilespmem:s12+$0x1810];
	_ =	sdelay $0x3  }
0xc3: {  	v1 =	vshll.u32 v1, $0x9  }
0xc4: {  	v1 =	vadd.s32 v2, v1  }
0xc5: {  	[tilespmem:v0+s12+$0x10 ss:$0x1] =	vst.idx.msk $0xffff, v1  }
0xc6: {  	v1 =	vld [tilespmem:s12+$0x1020]  }
0xc7: {  	v2 =	vld [tilespmem:s12+$0x1820];
	_ =	sdelay $0x3  }
0xc8: {  	v1 =	vshll.u32 v1, $0x9  }
0xc9: {  	v1 =	vadd.s32 v2, v1  }
0xca: {  	[tilespmem:v0+s12+$0x20 ss:$0x1] =	vst.idx.msk $0xffff, v1  }
0xcb: {  	v1 =	vld [tilespmem:s12+$0x1030]  }
0xcc: {  	v2 =	vld [tilespmem:s12+$0x1830];
	_ =	sdelay $0x3  }
0xcd: {  	v1 =	vshll.u32 v1, $0x9  }
0xce: {  	v1 =	vadd.s32 v2, v1  }
0xcf: {  	[tilespmem:v0+s12+$0x30 ss:$0x1] =	vst.idx.msk $0xffff, v1  }
0xd0: {  	v1 =	vld [tilespmem:s12+$0x1040]  }
0xd1: {  	v2 =	vld [tilespmem:s12+$0x1840];
	_ =	sdelay $0x3  }
0xd2: {  	v1 =	vshll.u32 v1, $0x9  }
0xd3: {  	v1 =	vadd.s32 v2, v1  }
0xd4: {  	[tilespmem:v0+s12+$0x40 ss:$0x1] =	vst.idx.msk $0xffff, v1  }
0xd5: {  	v1 =	vld [tilespmem:s12+$0x1050]  }
0xd6: {  	v2 =	vld [tilespmem:s12+$0x1850];
	_ =	sdelay $0x3  }
0xd7: {  	v1 =	vshll.u32 v1, $0x9  }
0xd8: {  	v1 =	vadd.s32 v2, v1  }
0xd9: {  	[tilespmem:v0+s12+$0x50 ss:$0x1] =	vst.idx.msk $0xffff, v1  }
0xda: {  	v1 =	vld [tilespmem:s12+$0x1060]  }
0xdb: {  	v2 =	vld [tilespmem:s12+$0x1860];
	_ =	sdelay $0x3  }
0xdc: {  	v1 =	vshll.u32 v1, $0x9  }
0xdd: {  	v1 =	vadd.s32 v2, v1  }
0xde: {  	[tilespmem:v0+s12+$0x60 ss:$0x1] =	vst.idx.msk $0xffff, v1  }
0xdf: {  	v1 =	vld [tilespmem:s12+$0x1070]  }
0xe0: {  	v2 =	vld [tilespmem:s12+$0x1870];
	_ =	sdelay $0x3  }
0xe1: {  	v1 =	vshll.u32 v1, $0x9  }
0xe2: {  	s17 =	simm.s32 $0x400;
	s13 =	simm.s32 $0x200;
	v1 =	vadd.s32 v2, v1  }
.LBB2_8:
0xe3: {  	p0 =	seq.s32 s17, $0x1E00  }
0xe4: {  	[tilespmem:v0+s12+$0x70 ss:$0x1] =	vst.idx.msk $0xffff, v1;
	s12 =	sshra.s32 s13, $0x2;
	s13 =	smov.u32 s17;
	s17 =	sadd.s32 $0x200, s17  }
0xe5: {  	v1 =	vld [tilespmem:s12+$0x1000]  }
0xe6: {  	v2 =	vld [tilespmem:s12+$0x1800];
	_ =	sdelay $0x3  }
0xe7: {  	v1 =	vshll.u32 v1, $0x9  }
0xe8: {  	v1 =	vadd.s32 v2, v1  }
0xe9: {  	[tilespmem:v0+s12+$0x0 ss:$0x1] =	vst.idx.msk $0xffff, v1  }
0xea: {  	v1 =	vld [tilespmem:s12+$0x1010]  }
0xeb: {  	v2 =	vld [tilespmem:s12+$0x1810];
	_ =	sdelay $0x3  }
0xec: {  	v1 =	vshll.u32 v1, $0x9  }
0xed: {  	v1 =	vadd.s32 v2, v1  }
0xee: {  	[tilespmem:v0+s12+$0x10 ss:$0x1] =	vst.idx.msk $0xffff, v1  }
0xef: {  	v1 =	vld [tilespmem:s12+$0x1020]  }
0xf0: {  	v2 =	vld [tilespmem:s12+$0x1820];
	_ =	sdelay $0x3  }
0xf1: {  	v1 =	vshll.u32 v1, $0x9  }
0xf2: {  	v1 =	vadd.s32 v2, v1  }
0xf3: {  	[tilespmem:v0+s12+$0x20 ss:$0x1] =	vst.idx.msk $0xffff, v1  }
0xf4: {  	v1 =	vld [tilespmem:s12+$0x1030]  }
0xf5: {  	v2 =	vld [tilespmem:s12+$0x1830];
	_ =	sdelay $0x3  }
0xf6: {  	v1 =	vshll.u32 v1, $0x9  }
0xf7: {  	v1 =	vadd.s32 v2, v1  }
0xf8: {  	[tilespmem:v0+s12+$0x30 ss:$0x1] =	vst.idx.msk $0xffff, v1  }
0xf9: {  	v1 =	vld [tilespmem:s12+$0x1040]  }
0xfa: {  	v2 =	vld [tilespmem:s12+$0x1840];
	_ =	sdelay $0x3  }
0xfb: {  	v1 =	vshll.u32 v1, $0x9  }
0xfc: {  	v1 =	vadd.s32 v2, v1  }
0xfd: {  	[tilespmem:v0+s12+$0x40 ss:$0x1] =	vst.idx.msk $0xffff, v1  }
0xfe: {  	v1 =	vld [tilespmem:s12+$0x1050]  }
0xff: {  	v2 =	vld [tilespmem:s12+$0x1850];
	_ =	sdelay $0x3  }
0x100: {  	v1 =	vshll.u32 v1, $0x9  }
0x101: {  	v1 =	vadd.s32 v2, v1  }
0x102: {  	[tilespmem:v0+s12+$0x50 ss:$0x1] =	vst.idx.msk $0xffff, v1  }
0x103: {  	v1 =	vld [tilespmem:s12+$0x1060]  }
0x104: {  	v2 =	vld [tilespmem:s12+$0x1860];
	_ =	sdelay $0x3  }
0x105: {  	v1 =	vshll.u32 v1, $0x9  }
0x106: {  	v1 =	vadd.s32 v2, v1  }
0x107: {  	[tilespmem:v0+s12+$0x60 ss:$0x1] =	vst.idx.msk $0xffff, v1  }
0x108: {  	v1 =	vld [tilespmem:s12+$0x1070]  }
0x109: {  	v2 =	vld [tilespmem:s12+$0x1870]  }
.Ltmp3:
0x10a: {  	(pc) =	sbr.rel @!p0 .LBB2_8-.Ltmp3, $3  }
0x10b: {  	_ =	sdelay $0x1  }
0x10c: {  	v1 =	vshll.u32 v1, $0x9  }
0x10d: {  	v1 =	vadd.s32 v2, v1  }
0x10e: {  	_ =	sdelay $0x3  }
0x10f: {  	s13 =	sshra.s32 s13, $0x2;
	[tilespmem:v0+s12+$0x70 ss:$0x1] =	vst.idx.msk $0xffff, v1  }
0x110: {  	v1 =	vld [tilespmem:s13+$0x1000]  }
0x111: {  	v2 =	vld [tilespmem:s13+$0x1800];
	_ =	sdelay $0x3  }
0x112: {  	v1 =	vshll.u32 v1, $0x9  }
0x113: {  	v1 =	vadd.s32 v2, v1  }
0x114: {  	[tilespmem:v0+s13+$0x0 ss:$0x1] =	vst.idx.msk $0xffff, v1  }
0x115: {  	v1 =	vld [tilespmem:s13+$0x1010]  }
0x116: {  	v57 =	vld [tilespmem:s13+$0x1810];
	_ =	sdelay $0x3  }
0x117: {  	v1 =	vshll.u32 v1, $0x9  }
0x118: {  	v1 =	vadd.s32 v57, v1  }
0x119: {  	[tilespmem:v0+s13+$0x10 ss:$0x1] =	vst.idx.msk $0xffff, v1  }
0x11a: {  	v1 =	vld [tilespmem:s13+$0x1020]  }
0x11b: {  	v58 =	vld [tilespmem:s13+$0x1820];
	_ =	sdelay $0x3  }
0x11c: {  	v1 =	vshll.u32 v1, $0x9  }
0x11d: {  	v1 =	vadd.s32 v58, v1  }
0x11e: {  	[tilespmem:v0+s13+$0x20 ss:$0x1] =	vst.idx.msk $0xffff, v1  }
0x11f: {  	v1 =	vld [tilespmem:s13+$0x1030]  }
0x120: {  	v59 =	vld [tilespmem:s13+$0x1830];
	_ =	sdelay $0x3  }
0x121: {  	v1 =	vshll.u32 v1, $0x9  }
0x122: {  	v1 =	vadd.s32 v59, v1  }
0x123: {  	[tilespmem:v0+s13+$0x30 ss:$0x1] =	vst.idx.msk $0xffff, v1  }
0x124: {  	v1 =	vld [tilespmem:s13+$0x1040]  }
0x125: {  	v60 =	vld [tilespmem:s13+$0x1840];
	_ =	sdelay $0x3  }
0x126: {  	v1 =	vshll.u32 v1, $0x9  }
0x127: {  	v1 =	vadd.s32 v60, v1  }
0x128: {  	[tilespmem:v0+s13+$0x40 ss:$0x1] =	vst.idx.msk $0xffff, v1  }
0x129: {  	v1 =	vld [tilespmem:s13+$0x1050]  }
0x12a: {  	v61 =	vld [tilespmem:s13+$0x1850];
	_ =	sdelay $0x3  }
0x12b: {  	v1 =	vshll.u32 v1, $0x9  }
0x12c: {  	v1 =	vadd.s32 v61, v1  }
0x12d: {  	[tilespmem:v0+s13+$0x50 ss:$0x1] =	vst.idx.msk $0xffff, v1  }
0x12e: {  	v1 =	vld [tilespmem:s13+$0x1060]  }
0x12f: {  	v62 =	vld [tilespmem:s13+$0x1860];
	_ =	sdelay $0x3  }
0x130: {  	v1 =	vshll.u32 v1, $0x9  }
0x131: {  	v1 =	vadd.s32 v62, v1  }
0x132: {  	[tilespmem:v0+s13+$0x60 ss:$0x1] =	vst.idx.msk $0xffff, v1  }
0x133: {  	v1 =	vld [tilespmem:s13+$0x1070]  }
0x134: {  	v63 =	vld [tilespmem:s13+$0x1870];
	_ =	sdelay $0x1  }
.Ltmp4:
0x135: {  	_ = 	snop;
	(pc) =	sbr.rel .LBB2_11-.Ltmp4, $4  }
0x136: {  	_ = 	snop  }
0x137: {  	v1 =	vshll.u32 v1, $0x9  }
0x138: {  	v1 =	vadd.s32 v63, v1  }
0x139: {  	[tilespmem:v0+s13+$0x70 ss:$0x1] =	vst.idx.msk $0xffff, v1  }
.LBB2_10:
0x13a: {  	p0 =	seq.s32 s26, $0x0  }
.Ltmp5:
0x13b: {  	_ = 	snop;
	(pc) =	sbr.rel @p0 .LBB2_12-.Ltmp5, $1  }
0x13c: {  	_ =	sdelay $0x3  }
.LBB2_11:
0x13d: {  	_ =	swait.ge [sflag:s30], $0x4000  }
0x13e: {  	[sflag:s30] =	ssyncset.done $0x0  }
0x13f: {  	[sflag:s30] =	ssyncadd.s32 $0xFFFFC000  }
.LBB2_12:
0x140: {  	s11 =	sor.u32 $0x1, s11  }
0x141: {  	s12 =	sshll.u32 s11, $0x7  }
0x142: {  	s12 =	sand.u32 $0xF80, s12  }
0x143: {  	[tilespmem:s31], [sflag:$0x2] =	stream.indirect.gather [hbm4b:s1+s23], $0x80, s12, s23, $0xb8;
	[tilespmem:$0x17100] =	vst v63  }
0x144: {  	s12 =	sor.u32 $0x2000, s12  }
0x145: {  	[tilespmem:s0], [sflag:$0x4] =	stream.indirect.gather [spmem:s3], $0x80, s12, s23, $0xb8;
	[tilespmem:$0x17100] =	vst v63  }
0x146: {  	s13 =	simm.s32 $0x200;
	s12 =	simm.s32 $0x0  }
.LBB2_13:
0x147: {  	p0 =	sne.s32 s13, $0xFE00;
	v0 =	vld [tilespmem:s12+$0xB070]  }
0x148: {  	v1 =	vld [tilespmem:s12+$0xB000]  }
0x149: {  	v2 =	vld [tilespmem:s12+$0xB010]  }
0x14a: {  	v3 =	vld [tilespmem:s12+$0xB020]  }
0x14b: {  	v4 =	vld [tilespmem:s12+$0xB030]  }
0x14c: {  	[tilespmem:s12+$0x3070] =	vst.add.f32.msk $0xffff, v0  }
0x14d: {  	v0 =	vld [tilespmem:s12+$0xB040]  }
0x14e: {  	v5 =	vld [tilespmem:s12+$0xB050]  }
0x14f: {  	v6 =	vld [tilespmem:s12+$0xB060]  }
0x150: {  	[tilespmem:s12+$0x3000] =	vst.add.f32.msk $0xffff, v1  }
0x151: {  	[tilespmem:s12+$0x3010] =	vst.add.f32.msk $0xffff, v2  }
.Ltmp6:
0x152: {  	[tilespmem:s12+$0x3020] =	vst.add.f32.msk $0xffff, v3;
	(pc) =	sbr.rel @p0 .LBB2_13-.Ltmp6, $4  }
0x153: {  	[tilespmem:s12+$0x3030] =	vst.add.f32.msk $0xffff, v4  }
0x154: {  	[tilespmem:s12+$0x3040] =	vst.add.f32.msk $0xffff, v0  }
0x155: {  	[tilespmem:s12+$0x3050] =	vst.add.f32.msk $0xffff, v5  }
0x156: {  	[tilespmem:s12+$0x3060] =	vst.add.f32.msk $0xffff, v6;
	s12 =	sshra.s32 s13, $0x2;
	s13 =	sadd.s32 $0x200, s13  }
0x157: {  	v0 =	vld [tilespmem:s12+$0xB070]  }
0x158: {  	v1 =	vld [tilespmem:s12+$0xB000]  }
0x159: {  	v2 =	vld [tilespmem:s12+$0xB010]  }
0x15a: {  	v3 =	vld [tilespmem:s12+$0xB020]  }
0x15b: {  	v4 =	vld [tilespmem:s12+$0xB030]  }
0x15c: {  	v63 =	vld [tilespmem:s12+$0xB040]  }
0x15d: {  	v5 =	vld [tilespmem:s12+$0xB050]  }
0x15e: {  	v6 =	vld [tilespmem:s12+$0xB060]  }
0x15f: {  	[tilespmem:s12+$0x3070] =	vst.add.f32.msk $0xffff, v0  }
0x160: {  	[tilespmem:s12+$0x3000] =	vst.add.f32.msk $0xffff, v1  }
0x161: {  	[tilespmem:s12+$0x3010] =	vst.add.f32.msk $0xffff, v2  }
0x162: {  	[tilespmem:s12+$0x3020] =	vst.add.f32.msk $0xffff, v3  }
0x163: {  	[tilespmem:s12+$0x3030] =	vst.add.f32.msk $0xffff, v4  }
0x164: {  	[tilespmem:s12+$0x3040] =	vst.add.f32.msk $0xffff, v63  }
0x165: {  	s13 =	sshll.u32 s26, $0xC;
	[tilespmem:s12+$0x3050] =	vst.add.f32.msk $0xffff, v5  }
0x166: {  	s17 =	sadd.s32 s13, s16;
	[tilespmem:s12+$0x3060] =	vst.add.f32.msk $0xffff, v6  }
0x167: {  	[hbm4b:s17+s4] =	stream.linear.scatter [tilespmem:s24], [sflag:$0x5], $0x4000, $0x38;
	[tilespmem:$0x17100] =	vst v63  }
0x168: {  	_ =	swait.ge [sflag:s5], $0x4000  }
0x169: {  	[sflag:s5] =	ssyncset.done $0x0  }
0x16a: {  	[sflag:s5] =	ssyncadd.s32 $0xFFFFC000  }
0x16b: {  	_ =	swait.ge [sflag:s2], $0x4000  }
0x16c: {  	p0 =	sgt.u32 s11, $0x7E;
	[sflag:s2] =	ssyncset.done $0x0  }
0x16d: {  	s12 =	simm.s32 @!p0 $0x5;
	[sflag:s2] =	ssyncadd.s32 $0xFFFFC000  }
0x16e: {  	_ =	swait.ge @!p0 [sflag:s12], $0x4000  }
0x16f: {  	s13 =	sshll.u32 @!p0 s26, $0x8;
	[sflag:s12] =	ssyncset.done @!p0 $0x0  }
0x170: {  	[sflag:s12] =	ssyncadd.s32 @!p0 $0xFFFFC000;
	s12 =	sadd.s32 @!p0 $0x100, s13  }
0x171: {  	s17 =	simm.s32 @!p0 $0x3000;
	s13 =	simm.s32 @!p0 $0x80;
	s12 =	sand.u32 @!p0 $0xF00, s12  }
0x172: {  	[tilespmem:s17], [sflag:$0x1] =	stream.indirect.gather @!p0 [hbm4b:s1+s13], $0x80, s12, s13, $0xb8;
	[tilespmem:$0x17100] =	vst v63  }
0x173: {  	s12 =	sor.u32 @!p0 $0x2000, s12;
	s17 =	simm.s32 @!p0 $0xB000  }
0x174: {  	[tilespmem:s17], [sflag:$0x3] =	stream.indirect.gather @!p0 [spmem:s3], $0x80, s12, s13, $0xb8;
	[tilespmem:$0x17100] =	vst v63  }
0x175: {  	s12 =	simm.s32 $0x0;
	s13 =	simm.s32 $0x200  }
.LBB2_15:
0x176: {  	p0 =	sne.s32 s13, $0xFE00;
	v0 =	vld [tilespmem:s12+$0xF070]  }
0x177: {  	v1 =	vld [tilespmem:s12+$0xF000]  }
0x178: {  	v2 =	vld [tilespmem:s12+$0xF010]  }
0x179: {  	v3 =	vld [tilespmem:s12+$0xF020]  }
0x17a: {  	v4 =	vld [tilespmem:s12+$0xF030]  }
0x17b: {  	[tilespmem:s12+$0x7070] =	vst.add.f32.msk $0xffff, v0  }
0x17c: {  	v0 =	vld [tilespmem:s12+$0xF040]  }
0x17d: {  	v5 =	vld [tilespmem:s12+$0xF050]  }
0x17e: {  	v6 =	vld [tilespmem:s12+$0xF060]  }
0x17f: {  	[tilespmem:s12+$0x7000] =	vst.add.f32.msk $0xffff, v1  }
0x180: {  	[tilespmem:s12+$0x7010] =	vst.add.f32.msk $0xffff, v2  }
.Ltmp7:
0x181: {  	[tilespmem:s12+$0x7020] =	vst.add.f32.msk $0xffff, v3;
	(pc) =	sbr.rel @p0 .LBB2_15-.Ltmp7, $4  }
0x182: {  	[tilespmem:s12+$0x7030] =	vst.add.f32.msk $0xffff, v4  }
0x183: {  	[tilespmem:s12+$0x7040] =	vst.add.f32.msk $0xffff, v0  }
0x184: {  	[tilespmem:s12+$0x7050] =	vst.add.f32.msk $0xffff, v5  }
0x185: {  	[tilespmem:s12+$0x7060] =	vst.add.f32.msk $0xffff, v6;
	s12 =	sshra.s32 s13, $0x2;
	s13 =	sadd.s32 $0x200, s13  }
0x186: {  	v0 =	vld [tilespmem:s12+$0xF070]  }
0x187: {  	v1 =	vld [tilespmem:s12+$0xF000]  }
0x188: {  	v2 =	vld [tilespmem:s12+$0xF010]  }
0x189: {  	v3 =	vld [tilespmem:s12+$0xF020]  }
0x18a: {  	v4 =	vld [tilespmem:s12+$0xF030]  }
0x18b: {  	v63 =	vld [tilespmem:s12+$0xF040]  }
0x18c: {  	v5 =	vld [tilespmem:s12+$0xF050]  }
0x18d: {  	v6 =	vld [tilespmem:s12+$0xF060]  }
0x18e: {  	[tilespmem:s12+$0x7070] =	vst.add.f32.msk $0xffff, v0  }
0x18f: {  	[tilespmem:s12+$0x7000] =	vst.add.f32.msk $0xffff, v1  }
0x190: {  	s26 =	sadd.s32 $0x1, s26;
	[tilespmem:s12+$0x7010] =	vst.add.f32.msk $0xffff, v2  }
0x191: {  	p0 =	sne.s32 s26, $0x40;
	[tilespmem:s12+$0x7020] =	vst.add.f32.msk $0xffff, v3  }
.Ltmp8:
0x192: {  	[tilespmem:s12+$0x7030] =	vst.add.f32.msk $0xffff, v4;
	(pc) =	sbr.rel @p0 .LBB2_6-.Ltmp8, $4  }
0x193: {  	[tilespmem:s12+$0x7040] =	vst.add.f32.msk $0xffff, v63  }
0x194: {  	s11 =	sshll.u32 s11, $0xB;
	[tilespmem:s12+$0x7050] =	vst.add.f32.msk $0xffff, v5  }
0x195: {  	s10 =	sadd.s32 $0x2, s10;
	s11 =	sadd.s32 s11, s16;
	[tilespmem:s12+$0x7060] =	vst.add.f32.msk $0xffff, v6  }
0x196: {  	[hbm4b:s11+s4] =	stream.linear.scatter [tilespmem:s31], [sflag:$0x6], $0x4000, $0x38;
	[tilespmem:$0x17100] =	vst v63  }
0x197: {  	_ =	swait.ge [sflag:s21], $0x4000  }
0x198: {  	[sflag:s21] =	ssyncset.done $0x0  }
0x199: {  	[sflag:s21] =	ssyncadd.s32 $0xFFFFC000  }
0x19a: {  	_ =	swait.ge [sflag:s30], $0x4000  }
0x19b: {  	s25 =	sadd.s32 $0x1, s25;
	s10 =	rddreg [dreg:$0xb]  }
0x19c: {  	p0 =	sne.s32 s25, s10  }
.Ltmp9:
0x19d: {  	_ = 	snop;
	(pc) =	sbr.rel @p0 .LBB2_1-.Ltmp9, $3  }
0x19e: {  	_ =	sdelay $0x1  }
0x19f: {  	[sflag:s30] =	ssyncset.done $0x0  }
0x1a0: {  	s13 =	simm.s32 $0x13100;
	[sflag:s30] =	ssyncadd.s32 $0xFFFFC000  }
0x1a1: {  	_ =	sfence.sel $0x180000  }
0x1a2: {  	[bflag:$0x0] =	sbarrier.arrive $0xFFFF  }
0x1a3: {  	_ =	strace $0x90000047  }
0x1a4: {  	s0 =	stileid.u32;
	[bflag:$0x2] =	sbarrier.arrive $0xFFFF  }
0x1a5: {  	p0 =	sne.s32 s0, $0x0;
	s0 =	rddreg [dreg:$0x6]  }
0x1a6: {  	s0 =	sadd.s32 @!p0 $0x100000, s0  }
0x1a7: {  	[sflag:s0] =	ssyncadd.tile.s32 @!p0 $0x1;
	_ =	shalt  }
.Lfunc_end2:
_tile_overlayer_lowered:
.L_overlay_start_2:
0x1a8: {  	(tag) =	ssettag $0x2  }
0x1a9: {  	s0 =	rddreg [dreg:$0x0];
	s2 =	stileid.u32  }
0x1aa: {  	s1 =	rddreg [dreg:$0x1];
	p0 =	sne.s32 s2, $0x0  }
0x1ab: {  	s3 =	rddreg [dreg:$0x2];
	[bflag:$0x3] =	sbarrier.arrive $0xFFFF;
	s2 =	simm.s32 @!p0 $0x1C07  }
0x1ac: {  	[timem:s3], [sflag:s2] =	dma.local @!p0 [hbm:s0], s1  }
0x1ad: {  	s0 =	simm.s32 @!p0 $0x7  }
0x1ae: {  	_ =	swait.ge @!p0 [sflag:s0], s1  }
0x1af: {  	s1 =	ssub.s32 @!p0 $0x0, s1;
	[sflag:s0] =	ssyncset.done @!p0 $0x0  }
0x1b0: {  	[sflag:s0] =	ssyncadd.s32 @!p0 s1  }
0x1b1: {  	[bflag:$0x3] =	sbarrier.arrive $0xFFFF  }
0x1b2: {  	_ =	shalt  }

</sc_bundles>
